<compile_context>
chip_gen: v7x
topology: tpu7x:2x2x1
jax: 0.10.2.dev20260603
libtpu: 0.0.44.dev20260713+nightly
codegen_flags: <defaults>
</compile_context>

<pallas_src>
import functools

import jax
import jax.numpy as jnp
from jax import lax
from jax.experimental import pallas as pl
from jax.experimental.pallas import tpu as pltpu
from jax.experimental.pallas import tpu_sc as plsc

B = 16384
EMB = 32
HID = 32
N_USERS = 1000000
N_MOVIES = 100000
NC = 2
NS = 16
NW = NC * NS
BPW = B // NW
CHUNK = 128
NCHUNK = BPW // CHUNK
BLKC = 8192
GRP = BLKC // 4


def _tc_transpose_pack(table_t, n_rows):
    nblk = (n_rows + BLKC - 1) // BLKC

    def body(x_ref, o_ref):
        for k in range(4):
            o_ref[:, k * EMB:(k + 1) * EMB] = x_ref[:, k * GRP:(k + 1) * GRP].T

    return pl.pallas_call(
        body,
        grid=(nblk,),
        in_specs=[pl.BlockSpec((EMB, BLKC), lambda i: (0, i))],
        out_specs=pl.BlockSpec((GRP, 128), lambda i: (i, 0)),
        out_shape=jax.ShapeDtypeStruct((nblk * GRP, 128), jnp.float32),
    )(table_t)


def _sc_gather(u_idx2d, m_idx2d, ut_p, mt_p):
    mesh = plsc.VectorSubcoreMesh(core_axis_name="c", subcore_axis_name="s")

    @functools.partial(
        pl.kernel,
        mesh=mesh,
        out_type=(
            jax.ShapeDtypeStruct((B, 128), jnp.float32),
            jax.ShapeDtypeStruct((B, 128), jnp.float32),
        ),
        scratch_types=[
            pltpu.VMEM((NCHUNK, CHUNK), jnp.int32),
            pltpu.VMEM((NCHUNK, CHUNK), jnp.int32),
            pltpu.VMEM((NCHUNK, CHUNK), jnp.int32),
            pltpu.VMEM((NCHUNK, CHUNK), jnp.int32),
            pltpu.VMEM((CHUNK, 128), jnp.float32),
            pltpu.VMEM((CHUNK, 128), jnp.float32),
            pltpu.SemaphoreType.DMA,
            pltpu.SemaphoreType.DMA,
        ],
    )
    def k(u_idx_hbm, m_idx_hbm, ut_hbm, mt_hbm, u_out, m_out,
          uidx_v, midx_v, uln_v, mln_v, ubuf_v, mbuf_v, sem_u, sem_m):
        wid = lax.axis_index("s") * NC + lax.axis_index("c")
        base = wid * BPW
        pltpu.sync_copy(u_idx_hbm.at[pl.ds(wid * NCHUNK, NCHUNK)], uidx_v)
        pltpu.sync_copy(m_idx_hbm.at[pl.ds(wid * NCHUNK, NCHUNK)], midx_v)
        L = 16
        for j in range(NCHUNK):
            for g in range(CHUNK // L):
                sl = pl.ds(g * L, L)
                uv = uidx_v[j, sl]
                mv = midx_v[j, sl]
                uln_v[j, sl] = (lax.shift_left(
                    lax.shift_right_logical(uv, 13), 11)
                    + lax.bitwise_and(uv, GRP - 1))
                mln_v[j, sl] = (lax.shift_left(
                    lax.shift_right_logical(mv, 13), 11)
                    + lax.bitwise_and(mv, GRP - 1))
        for j in range(NCHUNK):
            cu = pltpu.async_copy(ut_hbm.at[uln_v.at[j]], ubuf_v, sem_u)
            cm = pltpu.async_copy(mt_hbm.at[mln_v.at[j]], mbuf_v, sem_m)
            cu.wait()
            pltpu.sync_copy(ubuf_v, u_out.at[pl.ds(base + j * CHUNK, CHUNK)])
            cm.wait()
            pltpu.sync_copy(mbuf_v, m_out.at[pl.ds(base + j * CHUNK, CHUNK)])

    return k(u_idx2d, m_idx2d, ut_p, mt_p)


def _tc_mlp(u_rows, m_rows, ku, km, w1u_t, w1m_t, b1_2d, w2_2d, b2_2d):
    BLK = 2048

    def body(u_ref, m_ref, ku_ref, km_ref, w1u_ref, w1m_ref, b1_ref,
             w2_ref, b2_ref, o_ref):
        xu = jnp.zeros((BLK, EMB), jnp.float32)
        xm = jnp.zeros((BLK, EMB), jnp.float32)
        kub = ku_ref[...]
        kmb = km_ref[...]
        for k in range(4):
            su = (kub == k).astype(jnp.float32)
            sm = (kmb == k).astype(jnp.float32)
            xu = xu + su * u_ref[:, k * EMB:(k + 1) * EMB]
            xm = xm + sm * m_ref[:, k * EMB:(k + 1) * EMB]
        h = jnp.dot(xu, w1u_ref[...], preferred_element_type=jnp.float32)
        h = h + jnp.dot(xm, w1m_ref[...], preferred_element_type=jnp.float32)
        h = jnp.maximum(h + b1_ref[...], 0.0)
        o = jnp.sum(h * w2_ref[...], axis=1, keepdims=True) + b2_ref[0, 0]
        o_ref[...] = jnp.maximum(o, 0.0)

    out = pl.pallas_call(
        body,
        grid=(B // BLK,),
        in_specs=[
            pl.BlockSpec((BLK, 128), lambda i: (i, 0)),
            pl.BlockSpec((BLK, 128), lambda i: (i, 0)),
            pl.BlockSpec((BLK, 1), lambda i: (i, 0)),
            pl.BlockSpec((BLK, 1), lambda i: (i, 0)),
            pl.BlockSpec((EMB, HID), lambda i: (0, 0)),
            pl.BlockSpec((EMB, HID), lambda i: (0, 0)),
            pl.BlockSpec((1, HID), lambda i: (0, 0)),
            pl.BlockSpec((1, HID), lambda i: (0, 0)),
            pl.BlockSpec((1, 1), lambda i: (0, 0)),
        ],
        out_specs=pl.BlockSpec((BLK, 1), lambda i: (i, 0)),
        out_shape=jax.ShapeDtypeStruct((B, 1), jnp.float32),
    )(u_rows, m_rows, ku, km, w1u_t, w1m_t, b1_2d, w2_2d, b2_2d)
    return out[:, 0]


def kernel(u_idx, m_idx, user_table, movie_table, W1, b1, W2, b2):
    u32 = u_idx.astype(jnp.int32)
    m32 = m_idx.astype(jnp.int32)
    u_idx2d = u32.reshape(B // CHUNK, CHUNK)
    m_idx2d = m32.reshape(B // CHUNK, CHUNK)
    ut_p = _tc_transpose_pack(user_table.T, N_USERS)
    mt_p = _tc_transpose_pack(movie_table.T, N_MOVIES)
    u_rows, m_rows = _sc_gather(u_idx2d, m_idx2d, ut_p, mt_p)
    ku = lax.bitwise_and(lax.shift_right_logical(u32, 11), 3).reshape(B, 1)
    km = lax.bitwise_and(lax.shift_right_logical(m32, 11), 3).reshape(B, 1)
    w1u_t = W1[:, :EMB].T
    w1m_t = W1[:, EMB:].T
    return _tc_mlp(u_rows, m_rows, ku, km, w1u_t, w1m_t,
                   b1.reshape(1, HID), W2, b2.reshape(1, 1))

# --- scband reference (transcript-rebuilt; emitter-appended) ---
"""Pipeline reference for scband-collab-filtering-89404039233847 (READ-ONLY COPY).

The authoritative reference and input builder live on the scoring server;
editing this copy changes nothing except your own understanding.
"""

import jax, jax.numpy as jnp
import numpy as np

N_USERS = 1000000
N_MOVIES = 100000
EMB_DIM = 32
HIDDEN = 32
BATCH = 16384


def setup_inputs(seed: int = 0) -> dict:
    key = jax.random.key(seed)
    k1, k2, k3, k4, k5, k6, k7, k8 = jax.random.split(key, 8)
    u_idx = jax.random.randint(k1, (BATCH,), 0, N_USERS, dtype=jnp.int64 if jax.config.read('jax_enable_x64') else jnp.int32)
    m_idx = jax.random.randint(k2, (BATCH,), 0, N_MOVIES, dtype=jnp.int64 if jax.config.read('jax_enable_x64') else jnp.int32)
    user_table = jax.random.normal(k3, (N_USERS, EMB_DIM), dtype=jnp.float32)
    movie_table = jax.random.normal(k4, (N_MOVIES, EMB_DIM), dtype=jnp.float32)
    lim1 = 1.0 / np.sqrt(2 * EMB_DIM)
    W1 = jax.random.uniform(k5, (HIDDEN, 2 * EMB_DIM), minval=-lim1, maxval=lim1, dtype=jnp.float32)
    b1 = jax.random.uniform(k6, (HIDDEN,), minval=-lim1, maxval=lim1, dtype=jnp.float32)
    lim2 = 1.0 / np.sqrt(HIDDEN)
    W2 = jax.random.uniform(k7, (1, HIDDEN), minval=-lim2, maxval=lim2, dtype=jnp.float32)
    b2 = jax.random.uniform(k8, (1,), minval=-lim2, maxval=lim2, dtype=jnp.float32)
    return {"u_idx": u_idx, "m_idx": m_idx, "user_table": user_table, "movie_table": movie_table, "W1": W1, "b1": b1, "W2": W2, "b2": b2}


def reference(u_idx, m_idx, user_table, movie_table, W1, b1, W2, b2):
    # Eval mode: F.dropout with training=False is identity, nn.Dropout inactive.
    u = jnp.take(user_table, u_idx, axis=0)
    m = jnp.take(movie_table, m_idx, axis=0)
    x = jnp.concatenate([u, m], axis=1)
    h = jax.nn.relu(x @ W1.T + b1)
    out = jax.nn.relu(h @ W2.T + b2)
    return jnp.squeeze(out, axis=-1)

if __name__ == "__main__":
    import jax
    _d = setup_inputs()
    print(jax.jit(kernel)(*tuple(_d.values())))

</pallas_src>

<mosaic_0001>
#map = affine_map<(d0, d1) -> (0, 0)>
module attributes {stable_mosaic.version = 14 : i64} {
  func.func @k(%arg0: i32, %arg1: i32, %arg2: memref<128x128xi32, #tpu.memory_space<hbm>>, %arg3: memref<128x128xi32, #tpu.memory_space<hbm>>, %arg4: memref<251904x128xf32, #tpu.memory_space<hbm>>, %arg5: memref<26624x128xf32, #tpu.memory_space<hbm>>, %arg6: memref<16384x128xf32, #tpu.memory_space<hbm>>, %arg7: memref<16384x128xf32, #tpu.memory_space<hbm>>, %arg8: memref<4x128xi32, #tpu.memory_space<vmem>>, %arg9: memref<4x128xi32, #tpu.memory_space<vmem>>, %arg10: memref<4x128xi32, #tpu.memory_space<vmem>>, %arg11: memref<4x128xi32, #tpu.memory_space<vmem>>, %arg12: memref<128x128xf32, #tpu.memory_space<vmem>>, %arg13: memref<128x128xf32, #tpu.memory_space<vmem>>, %arg14: memref<!tpu.dma_semaphore, #tpu.memory_space<semaphore_mem>>, %arg15: memref<!tpu.dma_semaphore, #tpu.memory_space<semaphore_mem>>) attributes {dimension_semantics = [#tpu.dimension_semantics<core_parallel>, #tpu.dimension_semantics<subcore_parallel>], iteration_bounds = array<i64: 2, 16>, scalar_prefetch = 0 : i64, scratch_operands = 8 : i64, tpu.core_type = #tpu.core_type<sc_vector_subcore>, window_params = [{transform_indices = #map}, {transform_indices = #map}, {transform_indices = #map}, {transform_indices = #map}, {transform_indices = #map}, {transform_indices = #map}]} {
    %mul3A = arith.constant 2 : i32
    %mul3A_0 = arith.muli %arg1, %mul3A : i32
    %add3A = arith.addi %mul3A_0, %arg0 : i32
    %mul3A_1 = arith.constant 512 : i32
    %mul3A_2 = arith.muli %add3A, %mul3A_1 : i32
    %mul3A_3 = arith.constant 4 : i32
    %mul3A_4 = arith.muli %add3A, %mul3A_3 : i32
    "tpu.region"() ({
      %run_scoped3A = tpu.sem_alloc : memref<!tpu.dma_semaphore, #tpu.memory_space<semaphore_mem>>
      %dma_start3A_1472 = arith.constant 0 : i32
      %dma_start3A_1473 = tpu.memref_slice %arg2[%mul3A_4, %dma_start3A_1472] : memref<128x128xi32, #tpu.memory_space<hbm>> -> memref<4x128xi32, #tpu.memory_space<hbm>>
      %dma_start3A_1474 = arith.constant 0 : i32
      %dma_start3A_1475 = tpu.memref_slice %arg2[%mul3A_4, %dma_start3A_1474] : memref<128x128xi32, #tpu.memory_space<hbm>> -> memref<4x128xi32, #tpu.memory_space<hbm>>
      tpu.enqueue_dma source(%dma_start3A_1475 : memref<4x128xi32, #tpu.memory_space<hbm>>) target(%arg8 : memref<4x128xi32, #tpu.memory_space<vmem>>) target_semaphore(%run_scoped3A : memref<!tpu.dma_semaphore, #tpu.memory_space<semaphore_mem>>)
      %dma_wait3A_1476 = arith.constant 0 : i32
      %dma_wait3A_1477 = tpu.memref_slice %arg2[%mul3A_4, %dma_wait3A_1476] : memref<128x128xi32, #tpu.memory_space<hbm>> -> memref<4x128xi32, #tpu.memory_space<hbm>>
      %dma_wait3A_1478 = arith.constant 0 : i32
      %dma_wait3A_1479 = tpu.memref_slice %arg2[%mul3A_4, %dma_wait3A_1478] : memref<128x128xi32, #tpu.memory_space<hbm>> -> memref<4x128xi32, #tpu.memory_space<hbm>>
      tpu.wait_dma2 semaphore(%run_scoped3A : memref<!tpu.dma_semaphore, #tpu.memory_space<semaphore_mem>>) src(%dma_wait3A_1479 : memref<4x128xi32, #tpu.memory_space<hbm>>) dst(%arg8 : memref<4x128xi32, #tpu.memory_space<vmem>>)
      tpu.yield
    }) : () -> ()
    %mul3A_5 = arith.constant 4 : i32
    %mul3A_6 = arith.muli %add3A, %mul3A_5 : i32
    "tpu.region"() ({
      %run_scoped3A = tpu.sem_alloc : memref<!tpu.dma_semaphore, #tpu.memory_space<semaphore_mem>>
      %dma_start3A_1472 = arith.constant 0 : i32
      %dma_start3A_1473 = tpu.memref_slice %arg3[%mul3A_6, %dma_start3A_1472] : memref<128x128xi32, #tpu.memory_space<hbm>> -> memref<4x128xi32, #tpu.memory_space<hbm>>
      %dma_start3A_1474 = arith.constant 0 : i32
      %dma_start3A_1475 = tpu.memref_slice %arg3[%mul3A_6, %dma_start3A_1474] : memref<128x128xi32, #tpu.memory_space<hbm>> -> memref<4x128xi32, #tpu.memory_space<hbm>>
      tpu.enqueue_dma source(%dma_start3A_1475 : memref<4x128xi32, #tpu.memory_space<hbm>>) target(%arg9 : memref<4x128xi32, #tpu.memory_space<vmem>>) target_semaphore(%run_scoped3A : memref<!tpu.dma_semaphore, #tpu.memory_space<semaphore_mem>>)
      %dma_wait3A_1476 = arith.constant 0 : i32
      %dma_wait3A_1477 = tpu.memref_slice %arg3[%mul3A_6, %dma_wait3A_1476] : memref<128x128xi32, #tpu.memory_space<hbm>> -> memref<4x128xi32, #tpu.memory_space<hbm>>
      %dma_wait3A_1478 = arith.constant 0 : i32
      %dma_wait3A_1479 = tpu.memref_slice %arg3[%mul3A_6, %dma_wait3A_1478] : memref<128x128xi32, #tpu.memory_space<hbm>> -> memref<4x128xi32, #tpu.memory_space<hbm>>
      tpu.wait_dma2 semaphore(%run_scoped3A : memref<!tpu.dma_semaphore, #tpu.memory_space<semaphore_mem>>) src(%dma_wait3A_1479 : memref<4x128xi32, #tpu.memory_space<hbm>>) dst(%arg9 : memref<4x128xi32, #tpu.memory_space<vmem>>)
      tpu.yield
    }) : () -> ()
    %get3A = arith.constant 0 : i32
    %get3A_7 = arith.index_cast %get3A : i32 to index
    %get3A_8 = arith.constant 0 : index
    %get3A_9 = tpu.vector_load %arg8[%get3A_7, %get3A_8] {strides = array<i32>} : memref<4x128xi32, #tpu.memory_space<vmem>>, vector<1x16xi32>,
    %get3A_10 = vector.shape_cast %get3A_9 : vector<1x16xi32> to vector<16xi32>
    %get3A_11 = arith.constant 0 : i32
    %get3A_12 = arith.index_cast %get3A_11 : i32 to index
    %get3A_13 = arith.constant 0 : index
    %get3A_14 = tpu.vector_load %arg9[%get3A_12, %get3A_13] {strides = array<i32>} : memref<4x128xi32, #tpu.memory_space<vmem>>, vector<1x16xi32>,
    %get3A_15 = vector.shape_cast %get3A_14 : vector<1x16xi32> to vector<16xi32>
    %shift_right_logical3A = arith.constant 13 : i32
    %shift_right_logical3A_16 = vector.broadcast %shift_right_logical3A : i32 to vector<16xi32>
    %shift_right_logical3A_17 = arith.shrui %get3A_10, %shift_right_logical3A_16 : vector<16xi32>
    %shift_left3A = arith.constant 11 : i32
    %shift_left3A_18 = vector.broadcast %shift_left3A : i32 to vector<16xi32>
    %shift_left3A_19 = arith.shli %shift_right_logical3A_17, %shift_left3A_18 : vector<16xi32>
    %and3A = arith.constant 2047 : i32
    %and3A_20 = vector.broadcast %and3A : i32 to vector<16xi32>
    %and3A_21 = arith.andi %get3A_10, %and3A_20 : vector<16xi32>
    %add3A_22 = arith.addi %shift_left3A_19, %and3A_21 : vector<16xi32>
    %swap3A = arith.constant 0 : i32
    %swap3A_23 = arith.index_cast %swap3A : i32 to index
    %swap3A_24 = arith.constant 0 : index
    %swap3A_25 = tpu.vector_load %arg10[%swap3A_23, %swap3A_24] {strides = array<i32>} : memref<4x128xi32, #tpu.memory_space<vmem>>, vector<1x16xi32>,
    %swap3A_26 = vector.shape_cast %swap3A_25 : vector<1x16xi32> to vector<16xi32>
    %swap3A_27 = vector.shape_cast %add3A_22 : vector<16xi32> to vector<1x16xi32>
    tpu.vector_store %arg10[%swap3A_23, %swap3A_24], %swap3A_27 {strides = array<i32>} : memref<4x128xi32, #tpu.memory_space<vmem>>, vector<1x16xi32>,
    %shift_right_logical3A_28 = arith.constant 13 : i32
    %shift_right_logical3A_29 = vector.broadcast %shift_right_logical3A_28 : i32 to vector<16xi32>
    %shift_right_logical3A_30 = arith.shrui %get3A_15, %shift_right_logical3A_29 : vector<16xi32>
    %shift_left3A_31 = arith.constant 11 : i32
    %shift_left3A_32 = vector.broadcast %shift_left3A_31 : i32 to vector<16xi32>
    %shift_left3A_33 = arith.shli %shift_right_logical3A_30, %shift_left3A_32 : vector<16xi32>
    %and3A_34 = arith.constant 2047 : i32
    %and3A_35 = vector.broadcast %and3A_34 : i32 to vector<16xi32>
    %and3A_36 = arith.andi %get3A_15, %and3A_35 : vector<16xi32>
    %add3A_37 = arith.addi %shift_left3A_33, %and3A_36 : vector<16xi32>
    %swap3A_38 = arith.constant 0 : i32
    %swap3A_39 = arith.index_cast %swap3A_38 : i32 to index
    %swap3A_40 = arith.constant 0 : index
    %swap3A_41 = tpu.vector_load %arg11[%swap3A_39, %swap3A_40] {strides = array<i32>} : memref<4x128xi32, #tpu.memory_space<vmem>>, vector<1x16xi32>,
    %swap3A_42 = vector.shape_cast %swap3A_41 : vector<1x16xi32> to vector<16xi32>
    %swap3A_43 = vector.shape_cast %add3A_37 : vector<16xi32> to vector<1x16xi32>
    tpu.vector_store %arg11[%swap3A_39, %swap3A_40], %swap3A_43 {strides = array<i32>} : memref<4x128xi32, #tpu.memory_space<vmem>>, vector<1x16xi32>,
    %get3A_44 = arith.constant 0 : i32
    %get3A_45 = arith.index_cast %get3A_44 : i32 to index
    %get3A_46 = arith.constant 16 : index
    %get3A_47 = tpu.vector_load %arg8[%get3A_45, %get3A_46] {strides = array<i32>} : memref<4x128xi32, #tpu.memory_space<vmem>>, vector<1x16xi32>,
    %get3A_48 = vector.shape_cast %get3A_47 : vector<1x16xi32> to vector<16xi32>
    %get3A_49 = arith.constant 0 : i32
    %get3A_50 = arith.index_cast %get3A_49 : i32 to index
    %get3A_51 = arith.constant 16 : index
    %get3A_52 = tpu.vector_load %arg9[%get3A_50, %get3A_51] {strides = array<i32>} : memref<4x128xi32, #tpu.memory_space<vmem>>, vector<1x16xi32>,
    %get3A_53 = vector.shape_cast %get3A_52 : vector<1x16xi32> to vector<16xi32>
    %shift_right_logical3A_54 = arith.constant 13 : i32
    %shift_right_logical3A_55 = vector.broadcast %shift_right_logical3A_54 : i32 to vector<16xi32>
    %shift_right_logical3A_56 = arith.shrui %get3A_48, %shift_right_logical3A_55 : vector<16xi32>
    %shift_left3A_57 = arith.constant 11 : i32
    %shift_left3A_58 = vector.broadcast %shift_left3A_57 : i32 to vector<16xi32>
    %shift_left3A_59 = arith.shli %shift_right_logical3A_56, %shift_left3A_58 : vector<16xi32>
    %and3A_60 = arith.constant 2047 : i32
    %and3A_61 = vector.broadcast %and3A_60 : i32 to vector<16xi32>
    %and3A_62 = arith.andi %get3A_48, %and3A_61 : vector<16xi32>
    %add3A_63 = arith.addi %shift_left3A_59, %and3A_62 : vector<16xi32>
    %swap3A_64 = arith.constant 0 : i32
    %swap3A_65 = arith.index_cast %swap3A_64 : i32 to index
    %swap3A_66 = arith.constant 16 : index
    %swap3A_67 = tpu.vector_load %arg10[%swap3A_65, %swap3A_66] {strides = array<i32>} : memref<4x128xi32, #tpu.memory_space<vmem>>, vector<1x16xi32>,
    %swap3A_68 = vector.shape_cast %swap3A_67 : vector<1x16xi32> to vector<16xi32>
    %swap3A_69 = vector.shape_cast %add3A_63 : vector<16xi32> to vector<1x16xi32>
    tpu.vector_store %arg10[%swap3A_65, %swap3A_66], %swap3A_69 {strides = array<i32>} : memref<4x128xi32, #tpu.memory_space<vmem>>, vector<1x16xi32>,
    %shift_right_logical3A_70 = arith.constant 13 : i32
    %shift_right_logical3A_71 = vector.broadcast %shift_right_logical3A_70 : i32 to vector<16xi32>
    %shift_right_logical3A_72 = arith.shrui %get3A_53, %shift_right_logical3A_71 : vector<16xi32>
    %shift_left3A_73 = arith.constant 11 : i32
    %shift_left3A_74 = vector.broadcast %shift_left3A_73 : i32 to vector<16xi32>
    %shift_left3A_75 = arith.shli %shift_right_logical3A_72, %shift_left3A_74 : vector<16xi32>
    %and3A_76 = arith.constant 2047 : i32
    %and3A_77 = vector.broadcast %and3A_76 : i32 to vector<16xi32>
    %and3A_78 = arith.andi %get3A_53, %and3A_77 : vector<16xi32>
    %add3A_79 = arith.addi %shift_left3A_75, %and3A_78 : vector<16xi32>
    %swap3A_80 = arith.constant 0 : i32
    %swap3A_81 = arith.index_cast %swap3A_80 : i32 to index
    %swap3A_82 = arith.constant 16 : index
    %swap3A_83 = tpu.vector_load %arg11[%swap3A_81, %swap3A_82] {strides = array<i32>} : memref<4x128xi32, #tpu.memory_space<vmem>>, vector<1x16xi32>,
    %swap3A_84 = vector.shape_cast %swap3A_83 : vector<1x16xi32> to vector<16xi32>
    %swap3A_85 = vector.shape_cast %add3A_79 : vector<16xi32> to vector<1x16xi32>
    tpu.vector_store %arg11[%swap3A_81, %swap3A_82], %swap3A_85 {strides = array<i32>} : memref<4x128xi32, #tpu.memory_space<vmem>>, vector<1x16xi32>,
    %get3A_86 = arith.constant 0 : i32
    %get3A_87 = arith.index_cast %get3A_86 : i32 to index
    %get3A_88 = arith.constant 32 : index
    %get3A_89 = tpu.vector_load %arg8[%get3A_87, %get3A_88] {strides = array<i32>} : memref<4x128xi32, #tpu.memory_space<vmem>>, vector<1x16xi32>,
    %get3A_90 = vector.shape_cast %get3A_89 : vector<1x16xi32> to vector<16xi32>
    %get3A_91 = arith.constant 0 : i32
    %get3A_92 = arith.index_cast %get3A_91 : i32 to index
    %get3A_93 = arith.constant 32 : index
    %get3A_94 = tpu.vector_load %arg9[%get3A_92, %get3A_93] {strides = array<i32>} : memref<4x128xi32, #tpu.memory_space<vmem>>, vector<1x16xi32>,
    %get3A_95 = vector.shape_cast %get3A_94 : vector<1x16xi32> to vector<16xi32>
    %shift_right_logical3A_96 = arith.constant 13 : i32
    %shift_right_logical3A_97 = vector.broadcast %shift_right_logical3A_96 : i32 to vector<16xi32>
    %shift_right_logical3A_98 = arith.shrui %get3A_90, %shift_right_logical3A_97 : vector<16xi32>
    %shift_left3A_99 = arith.constant 11 : i32
    %shift_left3A_100 = vector.broadcast %shift_left3A_99 : i32 to vector<16xi32>
    %shift_left3A_101 = arith.shli %shift_right_logical3A_98, %shift_left3A_100 : vector<16xi32>
    %and3A_102 = arith.constant 2047 : i32
    %and3A_103 = vector.broadcast %and3A_102 : i32 to vector<16xi32>
    %and3A_104 = arith.andi %get3A_90, %and3A_103 : vector<16xi32>
    %add3A_105 = arith.addi %shift_left3A_101, %and3A_104 : vector<16xi32>
    %swap3A_106 = arith.constant 0 : i32
    %swap3A_107 = arith.index_cast %swap3A_106 : i32 to index
    %swap3A_108 = arith.constant 32 : index
    %swap3A_109 = tpu.vector_load %arg10[%swap3A_107, %swap3A_108] {strides = array<i32>} : memref<4x128xi32, #tpu.memory_space<vmem>>, vector<1x16xi32>,
    %swap3A_110 = vector.shape_cast %swap3A_109 : vector<1x16xi32> to vector<16xi32>
    %swap3A_111 = vector.shape_cast %add3A_105 : vector<16xi32> to vector<1x16xi32>
    tpu.vector_store %arg10[%swap3A_107, %swap3A_108], %swap3A_111 {strides = array<i32>} : memref<4x128xi32, #tpu.memory_space<vmem>>, vector<1x16xi32>,
    %shift_right_logical3A_112 = arith.constant 13 : i32
    %shift_right_logical3A_113 = vector.broadcast %shift_right_logical3A_112 : i32 to vector<16xi32>
    %shift_right_logical3A_114 = arith.shrui %get3A_95, %shift_right_logical3A_113 : vector<16xi32>
    %shift_left3A_115 = arith.constant 11 : i32
    %shift_left3A_116 = vector.broadcast %shift_left3A_115 : i32 to vector<16xi32>
    %shift_left3A_117 = arith.shli %shift_right_logical3A_114, %shift_left3A_116 : vector<16xi32>
    %and3A_118 = arith.constant 2047 : i32
    %and3A_119 = vector.broadcast %and3A_118 : i32 to vector<16xi32>
    %and3A_120 = arith.andi %get3A_95, %and3A_119 : vector<16xi32>
    %add3A_121 = arith.addi %shift_left3A_117, %and3A_120 : vector<16xi32>
    %swap3A_122 = arith.constant 0 : i32
    %swap3A_123 = arith.index_cast %swap3A_122 : i32 to index
    %swap3A_124 = arith.constant 32 : index
    %swap3A_125 = tpu.vector_load %arg11[%swap3A_123, %swap3A_124] {strides = array<i32>} : memref<4x128xi32, #tpu.memory_space<vmem>>, vector<1x16xi32>,
    %swap3A_126 = vector.shape_cast %swap3A_125 : vector<1x16xi32> to vector<16xi32>
    %swap3A_127 = vector.shape_cast %add3A_121 : vector<16xi32> to vector<1x16xi32>
    tpu.vector_store %arg11[%swap3A_123, %swap3A_124], %swap3A_127 {strides = array<i32>} : memref<4x128xi32, #tpu.memory_space<vmem>>, vector<1x16xi32>,
    %get3A_128 = arith.constant 0 : i32
    %get3A_129 = arith.index_cast %get3A_128 : i32 to index
    %get3A_130 = arith.constant 48 : index
    %get3A_131 = tpu.vector_load %arg8[%get3A_129, %get3A_130] {strides = array<i32>} : memref<4x128xi32, #tpu.memory_space<vmem>>, vector<1x16xi32>,
    %get3A_132 = vector.shape_cast %get3A_131 : vector<1x16xi32> to vector<16xi32>
    %get3A_133 = arith.constant 0 : i32
    %get3A_134 = arith.index_cast %get3A_133 : i32 to index
    %get3A_135 = arith.constant 48 : index
    %get3A_136 = tpu.vector_load %arg9[%get3A_134, %get3A_135] {strides = array<i32>} : memref<4x128xi32, #tpu.memory_space<vmem>>, vector<1x16xi32>,
    %get3A_137 = vector.shape_cast %get3A_136 : vector<1x16xi32> to vector<16xi32>
    %shift_right_logical3A_138 = arith.constant 13 : i32
    %shift_right_logical3A_139 = vector.broadcast %shift_right_logical3A_138 : i32 to vector<16xi32>
    %shift_right_logical3A_140 = arith.shrui %get3A_132, %shift_right_logical3A_139 : vector<16xi32>
    %shift_left3A_141 = arith.constant 11 : i32
    %shift_left3A_142 = vector.broadcast %shift_left3A_141 : i32 to vector<16xi32>
    %shift_left3A_143 = arith.shli %shift_right_logical3A_140, %shift_left3A_142 : vector<16xi32>
    %and3A_144 = arith.constant 2047 : i32
    %and3A_145 = vector.broadcast %and3A_144 : i32 to vector<16xi32>
    %and3A_146 = arith.andi %get3A_132, %and3A_145 : vector<16xi32>
    %add3A_147 = arith.addi %shift_left3A_143, %and3A_146 : vector<16xi32>
    %swap3A_148 = arith.constant 0 : i32
    %swap3A_149 = arith.index_cast %swap3A_148 : i32 to index
    %swap3A_150 = arith.constant 48 : index
    %swap3A_151 = tpu.vector_load %arg10[%swap3A_149, %swap3A_150] {strides = array<i32>} : memref<4x128xi32, #tpu.memory_space<vmem>>, vector<1x16xi32>,
    %swap3A_152 = vector.shape_cast %swap3A_151 : vector<1x16xi32> to vector<16xi32>
    %swap3A_153 = vector.shape_cast %add3A_147 : vector<16xi32> to vector<1x16xi32>
    tpu.vector_store %arg10[%swap3A_149, %swap3A_150], %swap3A_153 {strides = array<i32>} : memref<4x128xi32, #tpu.memory_space<vmem>>, vector<1x16xi32>,
    %shift_right_logical3A_154 = arith.constant 13 : i32
    %shift_right_logical3A_155 = vector.broadcast %shift_right_logical3A_154 : i32 to vector<16xi32>
    %shift_right_logical3A_156 = arith.shrui %get3A_137, %shift_right_logical3A_155 : vector<16xi32>
    %shift_left3A_157 = arith.constant 11 : i32
    %shift_left3A_158 = vector.broadcast %shift_left3A_157 : i32 to vector<16xi32>
    %shift_left3A_159 = arith.shli %shift_right_logical3A_156, %shift_left3A_158 : vector<16xi32>
    %and3A_160 = arith.constant 2047 : i32
    %and3A_161 = vector.broadcast %and3A_160 : i32 to vector<16xi32>
    %and3A_162 = arith.andi %get3A_137, %and3A_161 : vector<16xi32>
    %add3A_163 = arith.addi %shift_left3A_159, %and3A_162 : vector<16xi32>
    %swap3A_164 = arith.constant 0 : i32
    %swap3A_165 = arith.index_cast %swap3A_164 : i32 to index
    %swap3A_166 = arith.constant 48 : index
    %swap3A_167 = tpu.vector_load %arg11[%swap3A_165, %swap3A_166] {strides = array<i32>} : memref<4x128xi32, #tpu.memory_space<vmem>>, vector<1x16xi32>,
    %swap3A_168 = vector.shape_cast %swap3A_167 : vector<1x16xi32> to vector<16xi32>
    %swap3A_169 = vector.shape_cast %add3A_163 : vector<16xi32> to vector<1x16xi32>
    tpu.vector_store %arg11[%swap3A_165, %swap3A_166], %swap3A_169 {strides = array<i32>} : memref<4x128xi32, #tpu.memory_space<vmem>>, vector<1x16xi32>,
    %get3A_170 = arith.constant 0 : i32
    %get3A_171 = arith.index_cast %get3A_170 : i32 to index
    %get3A_172 = arith.constant 64 : index
    %get3A_173 = tpu.vector_load %arg8[%get3A_171, %get3A_172] {strides = array<i32>} : memref<4x128xi32, #tpu.memory_space<vmem>>, vector<1x16xi32>,
    %get3A_174 = vector.shape_cast %get3A_173 : vector<1x16xi32> to vector<16xi32>
    %get3A_175 = arith.constant 0 : i32
    %get3A_176 = arith.index_cast %get3A_175 : i32 to index
    %get3A_177 = arith.constant 64 : index
    %get3A_178 = tpu.vector_load %arg9[%get3A_176, %get3A_177] {strides = array<i32>} : memref<4x128xi32, #tpu.memory_space<vmem>>, vector<1x16xi32>,
    %get3A_179 = vector.shape_cast %get3A_178 : vector<1x16xi32> to vector<16xi32>
    %shift_right_logical3A_180 = arith.constant 13 : i32
    %shift_right_logical3A_181 = vector.broadcast %shift_right_logical3A_180 : i32 to vector<16xi32>
    %shift_right_logical3A_182 = arith.shrui %get3A_174, %shift_right_logical3A_181 : vector<16xi32>
    %shift_left3A_183 = arith.constant 11 : i32
    %shift_left3A_184 = vector.broadcast %shift_left3A_183 : i32 to vector<16xi32>
    %shift_left3A_185 = arith.shli %shift_right_logical3A_182, %shift_left3A_184 : vector<16xi32>
    %and3A_186 = arith.constant 2047 : i32
    %and3A_187 = vector.broadcast %and3A_186 : i32 to vector<16xi32>
    %and3A_188 = arith.andi %get3A_174, %and3A_187 : vector<16xi32>
    %add3A_189 = arith.addi %shift_left3A_185, %and3A_188 : vector<16xi32>
    %swap3A_190 = arith.constant 0 : i32
    %swap3A_191 = arith.index_cast %swap3A_190 : i32 to index
    %swap3A_192 = arith.constant 64 : index
    %swap3A_193 = tpu.vector_load %arg10[%swap3A_191, %swap3A_192] {strides = array<i32>} : memref<4x128xi32, #tpu.memory_space<vmem>>, vector<1x16xi32>,
    %swap3A_194 = vector.shape_cast %swap3A_193 : vector<1x16xi32> to vector<16xi32>
    %swap3A_195 = vector.shape_cast %add3A_189 : vector<16xi32> to vector<1x16xi32>
    tpu.vector_store %arg10[%swap3A_191, %swap3A_192], %swap3A_195 {strides = array<i32>} : memref<4x128xi32, #tpu.memory_space<vmem>>, vector<1x16xi32>,
    %shift_right_logical3A_196 = arith.constant 13 : i32
    %shift_right_logical3A_197 = vector.broadcast %shift_right_logical3A_196 : i32 to vector<16xi32>
    %shift_right_logical3A_198 = arith.shrui %get3A_179, %shift_right_logical3A_197 : vector<16xi32>
    %shift_left3A_199 = arith.constant 11 : i32
    %shift_left3A_200 = vector.broadcast %shift_left3A_199 : i32 to vector<16xi32>
    %shift_left3A_201 = arith.shli %shift_right_logical3A_198, %shift_left3A_200 : vector<16xi32>
    %and3A_202 = arith.constant 2047 : i32
    %and3A_203 = vector.broadcast %and3A_202 : i32 to vector<16xi32>
    %and3A_204 = arith.andi %get3A_179, %and3A_203 : vector<16xi32>
    %add3A_205 = arith.addi %shift_left3A_201, %and3A_204 : vector<16xi32>
    %swap3A_206 = arith.constant 0 : i32
    %swap3A_207 = arith.index_cast %swap3A_206 : i32 to index
    %swap3A_208 = arith.constant 64 : index
    %swap3A_209 = tpu.vector_load %arg11[%swap3A_207, %swap3A_208] {strides = array<i32>} : memref<4x128xi32, #tpu.memory_space<vmem>>, vector<1x16xi32>,
    %swap3A_210 = vector.shape_cast %swap3A_209 : vector<1x16xi32> to vector<16xi32>
    %swap3A_211 = vector.shape_cast %add3A_205 : vector<16xi32> to vector<1x16xi32>
    tpu.vector_store %arg11[%swap3A_207, %swap3A_208], %swap3A_211 {strides = array<i32>} : memref<4x128xi32, #tpu.memory_space<vmem>>, vector<1x16xi32>,
    %get3A_212 = arith.constant 0 : i32
    %get3A_213 = arith.index_cast %get3A_212 : i32 to index
    %get3A_214 = arith.constant 80 : index
    %get3A_215 = tpu.vector_load %arg8[%get3A_213, %get3A_214] {strides = array<i32>} : memref<4x128xi32, #tpu.memory_space<vmem>>, vector<1x16xi32>,
    %get3A_216 = vector.shape_cast %get3A_215 : vector<1x16xi32> to vector<16xi32>
    %get3A_217 = arith.constant 0 : i32
    %get3A_218 = arith.index_cast %get3A_217 : i32 to index
    %get3A_219 = arith.constant 80 : index
    %get3A_220 = tpu.vector_load %arg9[%get3A_218, %get3A_219] {strides = array<i32>} : memref<4x128xi32, #tpu.memory_space<vmem>>, vector<1x16xi32>,
    %get3A_221 = vector.shape_cast %get3A_220 : vector<1x16xi32> to vector<16xi32>
    %shift_right_logical3A_222 = arith.constant 13 : i32
    %shift_right_logical3A_223 = vector.broadcast %shift_right_logical3A_222 : i32 to vector<16xi32>
    %shift_right_logical3A_224 = arith.shrui %get3A_216, %shift_right_logical3A_223 : vector<16xi32>
    %shift_left3A_225 = arith.constant 11 : i32
    %shift_left3A_226 = vector.broadcast %shift_left3A_225 : i32 to vector<16xi32>
    %shift_left3A_227 = arith.shli %shift_right_logical3A_224, %shift_left3A_226 : vector<16xi32>
    %and3A_228 = arith.constant 2047 : i32
    %and3A_229 = vector.broadcast %and3A_228 : i32 to vector<16xi32>
    %and3A_230 = arith.andi %get3A_216, %and3A_229 : vector<16xi32>
    %add3A_231 = arith.addi %shift_left3A_227, %and3A_230 : vector<16xi32>
    %swap3A_232 = arith.constant 0 : i32
    %swap3A_233 = arith.index_cast %swap3A_232 : i32 to index
    %swap3A_234 = arith.constant 80 : index
    %swap3A_235 = tpu.vector_load %arg10[%swap3A_233, %swap3A_234] {strides = array<i32>} : memref<4x128xi32, #tpu.memory_space<vmem>>, vector<1x16xi32>,
    %swap3A_236 = vector.shape_cast %swap3A_235 : vector<1x16xi32> to vector<16xi32>
    %swap3A_237 = vector.shape_cast %add3A_231 : vector<16xi32> to vector<1x16xi32>
    tpu.vector_store %arg10[%swap3A_233, %swap3A_234], %swap3A_237 {strides = array<i32>} : memref<4x128xi32, #tpu.memory_space<vmem>>, vector<1x16xi32>,
    %shift_right_logical3A_238 = arith.constant 13 : i32
    %shift_right_logical3A_239 = vector.broadcast %shift_right_logical3A_238 : i32 to vector<16xi32>
    %shift_right_logical3A_240 = arith.shrui %get3A_221, %shift_right_logical3A_239 : vector<16xi32>
    %shift_left3A_241 = arith.constant 11 : i32
    %shift_left3A_242 = vector.broadcast %shift_left3A_241 : i32 to vector<16xi32>
    %shift_left3A_243 = arith.shli %shift_right_logical3A_240, %shift_left3A_242 : vector<16xi32>
    %and3A_244 = arith.constant 2047 : i32
    %and3A_245 = vector.broadcast %and3A_244 : i32 to vector<16xi32>
    %and3A_246 = arith.andi %get3A_221, %and3A_245 : vector<16xi32>
    %add3A_247 = arith.addi %shift_left3A_243, %and3A_246 : vector<16xi32>
    %swap3A_248 = arith.constant 0 : i32
    %swap3A_249 = arith.index_cast %swap3A_248 : i32 to index
    %swap3A_250 = arith.constant 80 : index
    %swap3A_251 = tpu.vector_load %arg11[%swap3A_249, %swap3A_250] {strides = array<i32>} : memref<4x128xi32, #tpu.memory_space<vmem>>, vector<1x16xi32>,
    %swap3A_252 = vector.shape_cast %swap3A_251 : vector<1x16xi32> to vector<16xi32>
    %swap3A_253 = vector.shape_cast %add3A_247 : vector<16xi32> to vector<1x16xi32>
    tpu.vector_store %arg11[%swap3A_249, %swap3A_250], %swap3A_253 {strides = array<i32>} : memref<4x128xi32, #tpu.memory_space<vmem>>, vector<1x16xi32>,
    %get3A_254 = arith.constant 0 : i32
    %get3A_255 = arith.index_cast %get3A_254 : i32 to index
    %get3A_256 = arith.constant 96 : index
    %get3A_257 = tpu.vector_load %arg8[%get3A_255, %get3A_256] {strides = array<i32>} : memref<4x128xi32, #tpu.memory_space<vmem>>, vector<1x16xi32>,
    %get3A_258 = vector.shape_cast %get3A_257 : vector<1x16xi32> to vector<16xi32>
    %get3A_259 = arith.constant 0 : i32
    %get3A_260 = arith.index_cast %get3A_259 : i32 to index
    %get3A_261 = arith.constant 96 : index
    %get3A_262 = tpu.vector_load %arg9[%get3A_260, %get3A_261] {strides = array<i32>} : memref<4x128xi32, #tpu.memory_space<vmem>>, vector<1x16xi32>,
    %get3A_263 = vector.shape_cast %get3A_262 : vector<1x16xi32> to vector<16xi32>
    %shift_right_logical3A_264 = arith.constant 13 : i32
    %shift_right_logical3A_265 = vector.broadcast %shift_right_logical3A_264 : i32 to vector<16xi32>
    %shift_right_logical3A_266 = arith.shrui %get3A_258, %shift_right_logical3A_265 : vector<16xi32>
    %shift_left3A_267 = arith.constant 11 : i32
    %shift_left3A_268 = vector.broadcast %shift_left3A_267 : i32 to vector<16xi32>
    %shift_left3A_269 = arith.shli %shift_right_logical3A_266, %shift_left3A_268 : vector<16xi32>
    %and3A_270 = arith.constant 2047 : i32
    %and3A_271 = vector.broadcast %and3A_270 : i32 to vector<16xi32>
    %and3A_272 = arith.andi %get3A_258, %and3A_271 : vector<16xi32>
    %add3A_273 = arith.addi %shift_left3A_269, %and3A_272 : vector<16xi32>
    %swap3A_274 = arith.constant 0 : i32
    %swap3A_275 = arith.index_cast %swap3A_274 : i32 to index
    %swap3A_276 = arith.constant 96 : index
    %swap3A_277 = tpu.vector_load %arg10[%swap3A_275, %swap3A_276] {strides = array<i32>} : memref<4x128xi32, #tpu.memory_space<vmem>>, vector<1x16xi32>,
    %swap3A_278 = vector.shape_cast %swap3A_277 : vector<1x16xi32> to vector<16xi32>
    %swap3A_279 = vector.shape_cast %add3A_273 : vector<16xi32> to vector<1x16xi32>
    tpu.vector_store %arg10[%swap3A_275, %swap3A_276], %swap3A_279 {strides = array<i32>} : memref<4x128xi32, #tpu.memory_space<vmem>>, vector<1x16xi32>,
    %shift_right_logical3A_280 = arith.constant 13 : i32
    %shift_right_logical3A_281 = vector.broadcast %shift_right_logical3A_280 : i32 to vector<16xi32>
    %shift_right_logical3A_282 = arith.shrui %get3A_263, %shift_right_logical3A_281 : vector<16xi32>
    %shift_left3A_283 = arith.constant 11 : i32
    %shift_left3A_284 = vector.broadcast %shift_left3A_283 : i32 to vector<16xi32>
    %shift_left3A_285 = arith.shli %shift_right_logical3A_282, %shift_left3A_284 : vector<16xi32>
    %and3A_286 = arith.constant 2047 : i32
    %and3A_287 = vector.broadcast %and3A_286 : i32 to vector<16xi32>
    %and3A_288 = arith.andi %get3A_263, %and3A_287 : vector<16xi32>
    %add3A_289 = arith.addi %shift_left3A_285, %and3A_288 : vector<16xi32>
    %swap3A_290 = arith.constant 0 : i32
    %swap3A_291 = arith.index_cast %swap3A_290 : i32 to index
    %swap3A_292 = arith.constant 96 : index
    %swap3A_293 = tpu.vector_load %arg11[%swap3A_291, %swap3A_292] {strides = array<i32>} : memref<4x128xi32, #tpu.memory_space<vmem>>, vector<1x16xi32>,
    %swap3A_294 = vector.shape_cast %swap3A_293 : vector<1x16xi32> to vector<16xi32>
    %swap3A_295 = vector.shape_cast %add3A_289 : vector<16xi32> to vector<1x16xi32>
    tpu.vector_store %arg11[%swap3A_291, %swap3A_292], %swap3A_295 {strides = array<i32>} : memref<4x128xi32, #tpu.memory_space<vmem>>, vector<1x16xi32>,
    %get3A_296 = arith.constant 0 : i32
    %get3A_297 = arith.index_cast %get3A_296 : i32 to index
    %get3A_298 = arith.constant 112 : index
    %get3A_299 = tpu.vector_load %arg8[%get3A_297, %get3A_298] {strides = array<i32>} : memref<4x128xi32, #tpu.memory_space<vmem>>, vector<1x16xi32>,
    %get3A_300 = vector.shape_cast %get3A_299 : vector<1x16xi32> to vector<16xi32>
    %get3A_301 = arith.constant 0 : i32
    %get3A_302 = arith.index_cast %get3A_301 : i32 to index
    %get3A_303 = arith.constant 112 : index
    %get3A_304 = tpu.vector_load %arg9[%get3A_302, %get3A_303] {strides = array<i32>} : memref<4x128xi32, #tpu.memory_space<vmem>>, vector<1x16xi32>,
    %get3A_305 = vector.shape_cast %get3A_304 : vector<1x16xi32> to vector<16xi32>
    %shift_right_logical3A_306 = arith.constant 13 : i32
    %shift_right_logical3A_307 = vector.broadcast %shift_right_logical3A_306 : i32 to vector<16xi32>
    %shift_right_logical3A_308 = arith.shrui %get3A_300, %shift_right_logical3A_307 : vector<16xi32>
    %shift_left3A_309 = arith.constant 11 : i32
    %shift_left3A_310 = vector.broadcast %shift_left3A_309 : i32 to vector<16xi32>
    %shift_left3A_311 = arith.shli %shift_right_logical3A_308, %shift_left3A_310 : vector<16xi32>
    %and3A_312 = arith.constant 2047 : i32
    %and3A_313 = vector.broadcast %and3A_312 : i32 to vector<16xi32>
    %and3A_314 = arith.andi %get3A_300, %and3A_313 : vector<16xi32>
    %add3A_315 = arith.addi %shift_left3A_311, %and3A_314 : vector<16xi32>
    %swap3A_316 = arith.constant 0 : i32
    %swap3A_317 = arith.index_cast %swap3A_316 : i32 to index
    %swap3A_318 = arith.constant 112 : index
    %swap3A_319 = tpu.vector_load %arg10[%swap3A_317, %swap3A_318] {strides = array<i32>} : memref<4x128xi32, #tpu.memory_space<vmem>>, vector<1x16xi32>,
    %swap3A_320 = vector.shape_cast %swap3A_319 : vector<1x16xi32> to vector<16xi32>
    %swap3A_321 = vector.shape_cast %add3A_315 : vector<16xi32> to vector<1x16xi32>
    tpu.vector_store %arg10[%swap3A_317, %swap3A_318], %swap3A_321 {strides = array<i32>} : memref<4x128xi32, #tpu.memory_space<vmem>>, vector<1x16xi32>,
    %shift_right_logical3A_322 = arith.constant 13 : i32
    %shift_right_logical3A_323 = vector.broadcast %shift_right_logical3A_322 : i32 to vector<16xi32>
    %shift_right_logical3A_324 = arith.shrui %get3A_305, %shift_right_logical3A_323 : vector<16xi32>
    %shift_left3A_325 = arith.constant 11 : i32
    %shift_left3A_326 = vector.broadcast %shift_left3A_325 : i32 to vector<16xi32>
    %shift_left3A_327 = arith.shli %shift_right_logical3A_324, %shift_left3A_326 : vector<16xi32>
    %and3A_328 = arith.constant 2047 : i32
    %and3A_329 = vector.broadcast %and3A_328 : i32 to vector<16xi32>
    %and3A_330 = arith.andi %get3A_305, %and3A_329 : vector<16xi32>
    %add3A_331 = arith.addi %shift_left3A_327, %and3A_330 : vector<16xi32>
    %swap3A_332 = arith.constant 0 : i32
    %swap3A_333 = arith.index_cast %swap3A_332 : i32 to index
    %swap3A_334 = arith.constant 112 : index
    %swap3A_335 = tpu.vector_load %arg11[%swap3A_333, %swap3A_334] {strides = array<i32>} : memref<4x128xi32, #tpu.memory_space<vmem>>, vector<1x16xi32>,
    %swap3A_336 = vector.shape_cast %swap3A_335 : vector<1x16xi32> to vector<16xi32>
    %swap3A_337 = vector.shape_cast %add3A_331 : vector<16xi32> to vector<1x16xi32>
    tpu.vector_store %arg11[%swap3A_333, %swap3A_334], %swap3A_337 {strides = array<i32>} : memref<4x128xi32, #tpu.memory_space<vmem>>, vector<1x16xi32>,
    %get3A_338 = arith.constant 1 : i32
    %get3A_339 = arith.index_cast %get3A_338 : i32 to index
    %get3A_340 = arith.constant 0 : index
    %get3A_341 = tpu.vector_load %arg8[%get3A_339, %get3A_340] {strides = array<i32>} : memref<4x128xi32, #tpu.memory_space<vmem>>, vector<1x16xi32>,
    %get3A_342 = vector.shape_cast %get3A_341 : vector<1x16xi32> to vector<16xi32>
    %get3A_343 = arith.constant 1 : i32
    %get3A_344 = arith.index_cast %get3A_343 : i32 to index
    %get3A_345 = arith.constant 0 : index
    %get3A_346 = tpu.vector_load %arg9[%get3A_344, %get3A_345] {strides = array<i32>} : memref<4x128xi32, #tpu.memory_space<vmem>>, vector<1x16xi32>,
    %get3A_347 = vector.shape_cast %get3A_346 : vector<1x16xi32> to vector<16xi32>
    %shift_right_logical3A_348 = arith.constant 13 : i32
    %shift_right_logical3A_349 = vector.broadcast %shift_right_logical3A_348 : i32 to vector<16xi32>
    %shift_right_logical3A_350 = arith.shrui %get3A_342, %shift_right_logical3A_349 : vector<16xi32>
    %shift_left3A_351 = arith.constant 11 : i32
    %shift_left3A_352 = vector.broadcast %shift_left3A_351 : i32 to vector<16xi32>
    %shift_left3A_353 = arith.shli %shift_right_logical3A_350, %shift_left3A_352 : vector<16xi32>
    %and3A_354 = arith.constant 2047 : i32
    %and3A_355 = vector.broadcast %and3A_354 : i32 to vector<16xi32>
    %and3A_356 = arith.andi %get3A_342, %and3A_355 : vector<16xi32>
    %add3A_357 = arith.addi %shift_left3A_353, %and3A_356 : vector<16xi32>
    %swap3A_358 = arith.constant 1 : i32
    %swap3A_359 = arith.index_cast %swap3A_358 : i32 to index
    %swap3A_360 = arith.constant 0 : index
    %swap3A_361 = tpu.vector_load %arg10[%swap3A_359, %swap3A_360] {strides = array<i32>} : memref<4x128xi32, #tpu.memory_space<vmem>>, vector<1x16xi32>,
    %swap3A_362 = vector.shape_cast %swap3A_361 : vector<1x16xi32> to vector<16xi32>
    %swap3A_363 = vector.shape_cast %add3A_357 : vector<16xi32> to vector<1x16xi32>
    tpu.vector_store %arg10[%swap3A_359, %swap3A_360], %swap3A_363 {strides = array<i32>} : memref<4x128xi32, #tpu.memory_space<vmem>>, vector<1x16xi32>,
    %shift_right_logical3A_364 = arith.constant 13 : i32
    %shift_right_logical3A_365 = vector.broadcast %shift_right_logical3A_364 : i32 to vector<16xi32>
    %shift_right_logical3A_366 = arith.shrui %get3A_347, %shift_right_logical3A_365 : vector<16xi32>
    %shift_left3A_367 = arith.constant 11 : i32
    %shift_left3A_368 = vector.broadcast %shift_left3A_367 : i32 to vector<16xi32>
    %shift_left3A_369 = arith.shli %shift_right_logical3A_366, %shift_left3A_368 : vector<16xi32>
    %and3A_370 = arith.constant 2047 : i32
    %and3A_371 = vector.broadcast %and3A_370 : i32 to vector<16xi32>
    %and3A_372 = arith.andi %get3A_347, %and3A_371 : vector<16xi32>
    %add3A_373 = arith.addi %shift_left3A_369, %and3A_372 : vector<16xi32>
    %swap3A_374 = arith.constant 1 : i32
    %swap3A_375 = arith.index_cast %swap3A_374 : i32 to index
    %swap3A_376 = arith.constant 0 : index
    %swap3A_377 = tpu.vector_load %arg11[%swap3A_375, %swap3A_376] {strides = array<i32>} : memref<4x128xi32, #tpu.memory_space<vmem>>, vector<1x16xi32>,
    %swap3A_378 = vector.shape_cast %swap3A_377 : vector<1x16xi32> to vector<16xi32>
    %swap3A_379 = vector.shape_cast %add3A_373 : vector<16xi32> to vector<1x16xi32>
    tpu.vector_store %arg11[%swap3A_375, %swap3A_376], %swap3A_379 {strides = array<i32>} : memref<4x128xi32, #tpu.memory_space<vmem>>, vector<1x16xi32>,
    %get3A_380 = arith.constant 1 : i32
    %get3A_381 = arith.index_cast %get3A_380 : i32 to index
    %get3A_382 = arith.constant 16 : index
    %get3A_383 = tpu.vector_load %arg8[%get3A_381, %get3A_382] {strides = array<i32>} : memref<4x128xi32, #tpu.memory_space<vmem>>, vector<1x16xi32>,
    %get3A_384 = vector.shape_cast %get3A_383 : vector<1x16xi32> to vector<16xi32>
    %get3A_385 = arith.constant 1 : i32
    %get3A_386 = arith.index_cast %get3A_385 : i32 to index
    %get3A_387 = arith.constant 16 : index
    %get3A_388 = tpu.vector_load %arg9[%get3A_386, %get3A_387] {strides = array<i32>} : memref<4x128xi32, #tpu.memory_space<vmem>>, vector<1x16xi32>,
    %get3A_389 = vector.shape_cast %get3A_388 : vector<1x16xi32> to vector<16xi32>
    %shift_right_logical3A_390 = arith.constant 13 : i32
    %shift_right_logical3A_391 = vector.broadcast %shift_right_logical3A_390 : i32 to vector<16xi32>
    %shift_right_logical3A_392 = arith.shrui %get3A_384, %shift_right_logical3A_391 : vector<16xi32>
    %shift_left3A_393 = arith.constant 11 : i32
    %shift_left3A_394 = vector.broadcast %shift_left3A_393 : i32 to vector<16xi32>
    %shift_left3A_395 = arith.shli %shift_right_logical3A_392, %shift_left3A_394 : vector<16xi32>
    %and3A_396 = arith.constant 2047 : i32
    %and3A_397 = vector.broadcast %and3A_396 : i32 to vector<16xi32>
    %and3A_398 = arith.andi %get3A_384, %and3A_397 : vector<16xi32>
    %add3A_399 = arith.addi %shift_left3A_395, %and3A_398 : vector<16xi32>
    %swap3A_400 = arith.constant 1 : i32
    %swap3A_401 = arith.index_cast %swap3A_400 : i32 to index
    %swap3A_402 = arith.constant 16 : index
    %swap3A_403 = tpu.vector_load %arg10[%swap3A_401, %swap3A_402] {strides = array<i32>} : memref<4x128xi32, #tpu.memory_space<vmem>>, vector<1x16xi32>,
    %swap3A_404 = vector.shape_cast %swap3A_403 : vector<1x16xi32> to vector<16xi32>
    %swap3A_405 = vector.shape_cast %add3A_399 : vector<16xi32> to vector<1x16xi32>
    tpu.vector_store %arg10[%swap3A_401, %swap3A_402], %swap3A_405 {strides = array<i32>} : memref<4x128xi32, #tpu.memory_space<vmem>>, vector<1x16xi32>,
    %shift_right_logical3A_406 = arith.constant 13 : i32
    %shift_right_logical3A_407 = vector.broadcast %shift_right_logical3A_406 : i32 to vector<16xi32>
    %shift_right_logical3A_408 = arith.shrui %get3A_389, %shift_right_logical3A_407 : vector<16xi32>
    %shift_left3A_409 = arith.constant 11 : i32
    %shift_left3A_410 = vector.broadcast %shift_left3A_409 : i32 to vector<16xi32>
    %shift_left3A_411 = arith.shli %shift_right_logical3A_408, %shift_left3A_410 : vector<16xi32>
    %and3A_412 = arith.constant 2047 : i32
    %and3A_413 = vector.broadcast %and3A_412 : i32 to vector<16xi32>
    %and3A_414 = arith.andi %get3A_389, %and3A_413 : vector<16xi32>
    %add3A_415 = arith.addi %shift_left3A_411, %and3A_414 : vector<16xi32>
    %swap3A_416 = arith.constant 1 : i32
    %swap3A_417 = arith.index_cast %swap3A_416 : i32 to index
    %swap3A_418 = arith.constant 16 : index
    %swap3A_419 = tpu.vector_load %arg11[%swap3A_417, %swap3A_418] {strides = array<i32>} : memref<4x128xi32, #tpu.memory_space<vmem>>, vector<1x16xi32>,
    %swap3A_420 = vector.shape_cast %swap3A_419 : vector<1x16xi32> to vector<16xi32>
    %swap3A_421 = vector.shape_cast %add3A_415 : vector<16xi32> to vector<1x16xi32>
    tpu.vector_store %arg11[%swap3A_417, %swap3A_418], %swap3A_421 {strides = array<i32>} : memref<4x128xi32, #tpu.memory_space<vmem>>, vector<1x16xi32>,
    %get3A_422 = arith.constant 1 : i32
    %get3A_423 = arith.index_cast %get3A_422 : i32 to index
    %get3A_424 = arith.constant 32 : index
    %get3A_425 = tpu.vector_load %arg8[%get3A_423, %get3A_424] {strides = array<i32>} : memref<4x128xi32, #tpu.memory_space<vmem>>, vector<1x16xi32>,
    %get3A_426 = vector.shape_cast %get3A_425 : vector<1x16xi32> to vector<16xi32>
    %get3A_427 = arith.constant 1 : i32
    %get3A_428 = arith.index_cast %get3A_427 : i32 to index
    %get3A_429 = arith.constant 32 : index
    %get3A_430 = tpu.vector_load %arg9[%get3A_428, %get3A_429] {strides = array<i32>} : memref<4x128xi32, #tpu.memory_space<vmem>>, vector<1x16xi32>,
    %get3A_431 = vector.shape_cast %get3A_430 : vector<1x16xi32> to vector<16xi32>
    %shift_right_logical3A_432 = arith.constant 13 : i32
    %shift_right_logical3A_433 = vector.broadcast %shift_right_logical3A_432 : i32 to vector<16xi32>
    %shift_right_logical3A_434 = arith.shrui %get3A_426, %shift_right_logical3A_433 : vector<16xi32>
    %shift_left3A_435 = arith.constant 11 : i32
    %shift_left3A_436 = vector.broadcast %shift_left3A_435 : i32 to vector<16xi32>
    %shift_left3A_437 = arith.shli %shift_right_logical3A_434, %shift_left3A_436 : vector<16xi32>
    %and3A_438 = arith.constant 2047 : i32
    %and3A_439 = vector.broadcast %and3A_438 : i32 to vector<16xi32>
    %and3A_440 = arith.andi %get3A_426, %and3A_439 : vector<16xi32>
    %add3A_441 = arith.addi %shift_left3A_437, %and3A_440 : vector<16xi32>
    %swap3A_442 = arith.constant 1 : i32
    %swap3A_443 = arith.index_cast %swap3A_442 : i32 to index
    %swap3A_444 = arith.constant 32 : index
    %swap3A_445 = tpu.vector_load %arg10[%swap3A_443, %swap3A_444] {strides = array<i32>} : memref<4x128xi32, #tpu.memory_space<vmem>>, vector<1x16xi32>,
    %swap3A_446 = vector.shape_cast %swap3A_445 : vector<1x16xi32> to vector<16xi32>
    %swap3A_447 = vector.shape_cast %add3A_441 : vector<16xi32> to vector<1x16xi32>
    tpu.vector_store %arg10[%swap3A_443, %swap3A_444], %swap3A_447 {strides = array<i32>} : memref<4x128xi32, #tpu.memory_space<vmem>>, vector<1x16xi32>,
    %shift_right_logical3A_448 = arith.constant 13 : i32
    %shift_right_logical3A_449 = vector.broadcast %shift_right_logical3A_448 : i32 to vector<16xi32>
    %shift_right_logical3A_450 = arith.shrui %get3A_431, %shift_right_logical3A_449 : vector<16xi32>
    %shift_left3A_451 = arith.constant 11 : i32
    %shift_left3A_452 = vector.broadcast %shift_left3A_451 : i32 to vector<16xi32>
    %shift_left3A_453 = arith.shli %shift_right_logical3A_450, %shift_left3A_452 : vector<16xi32>
    %and3A_454 = arith.constant 2047 : i32
    %and3A_455 = vector.broadcast %and3A_454 : i32 to vector<16xi32>
    %and3A_456 = arith.andi %get3A_431, %and3A_455 : vector<16xi32>
    %add3A_457 = arith.addi %shift_left3A_453, %and3A_456 : vector<16xi32>
    %swap3A_458 = arith.constant 1 : i32
    %swap3A_459 = arith.index_cast %swap3A_458 : i32 to index
    %swap3A_460 = arith.constant 32 : index
    %swap3A_461 = tpu.vector_load %arg11[%swap3A_459, %swap3A_460] {strides = array<i32>} : memref<4x128xi32, #tpu.memory_space<vmem>>, vector<1x16xi32>,
    %swap3A_462 = vector.shape_cast %swap3A_461 : vector<1x16xi32> to vector<16xi32>
    %swap3A_463 = vector.shape_cast %add3A_457 : vector<16xi32> to vector<1x16xi32>
    tpu.vector_store %arg11[%swap3A_459, %swap3A_460], %swap3A_463 {strides = array<i32>} : memref<4x128xi32, #tpu.memory_space<vmem>>, vector<1x16xi32>,
    %get3A_464 = arith.constant 1 : i32
    %get3A_465 = arith.index_cast %get3A_464 : i32 to index
    %get3A_466 = arith.constant 48 : index
    %get3A_467 = tpu.vector_load %arg8[%get3A_465, %get3A_466] {strides = array<i32>} : memref<4x128xi32, #tpu.memory_space<vmem>>, vector<1x16xi32>,
    %get3A_468 = vector.shape_cast %get3A_467 : vector<1x16xi32> to vector<16xi32>
    %get3A_469 = arith.constant 1 : i32
    %get3A_470 = arith.index_cast %get3A_469 : i32 to index
    %get3A_471 = arith.constant 48 : index
    %get3A_472 = tpu.vector_load %arg9[%get3A_470, %get3A_471] {strides = array<i32>} : memref<4x128xi32, #tpu.memory_space<vmem>>, vector<1x16xi32>,
    %get3A_473 = vector.shape_cast %get3A_472 : vector<1x16xi32> to vector<16xi32>
    %shift_right_logical3A_474 = arith.constant 13 : i32
    %shift_right_logical3A_475 = vector.broadcast %shift_right_logical3A_474 : i32 to vector<16xi32>
    %shift_right_logical3A_476 = arith.shrui %get3A_468, %shift_right_logical3A_475 : vector<16xi32>
    %shift_left3A_477 = arith.constant 11 : i32
    %shift_left3A_478 = vector.broadcast %shift_left3A_477 : i32 to vector<16xi32>
    %shift_left3A_479 = arith.shli %shift_right_logical3A_476, %shift_left3A_478 : vector<16xi32>
    %and3A_480 = arith.constant 2047 : i32
    %and3A_481 = vector.broadcast %and3A_480 : i32 to vector<16xi32>
    %and3A_482 = arith.andi %get3A_468, %and3A_481 : vector<16xi32>
    %add3A_483 = arith.addi %shift_left3A_479, %and3A_482 : vector<16xi32>
    %swap3A_484 = arith.constant 1 : i32
    %swap3A_485 = arith.index_cast %swap3A_484 : i32 to index
    %swap3A_486 = arith.constant 48 : index
    %swap3A_487 = tpu.vector_load %arg10[%swap3A_485, %swap3A_486] {strides = array<i32>} : memref<4x128xi32, #tpu.memory_space<vmem>>, vector<1x16xi32>,
    %swap3A_488 = vector.shape_cast %swap3A_487 : vector<1x16xi32> to vector<16xi32>
    %swap3A_489 = vector.shape_cast %add3A_483 : vector<16xi32> to vector<1x16xi32>
    tpu.vector_store %arg10[%swap3A_485, %swap3A_486], %swap3A_489 {strides = array<i32>} : memref<4x128xi32, #tpu.memory_space<vmem>>, vector<1x16xi32>,
    %shift_right_logical3A_490 = arith.constant 13 : i32
    %shift_right_logical3A_491 = vector.broadcast %shift_right_logical3A_490 : i32 to vector<16xi32>
    %shift_right_logical3A_492 = arith.shrui %get3A_473, %shift_right_logical3A_491 : vector<16xi32>
    %shift_left3A_493 = arith.constant 11 : i32
    %shift_left3A_494 = vector.broadcast %shift_left3A_493 : i32 to vector<16xi32>
    %shift_left3A_495 = arith.shli %shift_right_logical3A_492, %shift_left3A_494 : vector<16xi32>
    %and3A_496 = arith.constant 2047 : i32
    %and3A_497 = vector.broadcast %and3A_496 : i32 to vector<16xi32>
    %and3A_498 = arith.andi %get3A_473, %and3A_497 : vector<16xi32>
    %add3A_499 = arith.addi %shift_left3A_495, %and3A_498 : vector<16xi32>
    %swap3A_500 = arith.constant 1 : i32
    %swap3A_501 = arith.index_cast %swap3A_500 : i32 to index
    %swap3A_502 = arith.constant 48 : index
    %swap3A_503 = tpu.vector_load %arg11[%swap3A_501, %swap3A_502] {strides = array<i32>} : memref<4x128xi32, #tpu.memory_space<vmem>>, vector<1x16xi32>,
    %swap3A_504 = vector.shape_cast %swap3A_503 : vector<1x16xi32> to vector<16xi32>
    %swap3A_505 = vector.shape_cast %add3A_499 : vector<16xi32> to vector<1x16xi32>
    tpu.vector_store %arg11[%swap3A_501, %swap3A_502], %swap3A_505 {strides = array<i32>} : memref<4x128xi32, #tpu.memory_space<vmem>>, vector<1x16xi32>,
    %get3A_506 = arith.constant 1 : i32
    %get3A_507 = arith.index_cast %get3A_506 : i32 to index
    %get3A_508 = arith.constant 64 : index
    %get3A_509 = tpu.vector_load %arg8[%get3A_507, %get3A_508] {strides = array<i32>} : memref<4x128xi32, #tpu.memory_space<vmem>>, vector<1x16xi32>,
    %get3A_510 = vector.shape_cast %get3A_509 : vector<1x16xi32> to vector<16xi32>
    %get3A_511 = arith.constant 1 : i32
    %get3A_512 = arith.index_cast %get3A_511 : i32 to index
    %get3A_513 = arith.constant 64 : index
    %get3A_514 = tpu.vector_load %arg9[%get3A_512, %get3A_513] {strides = array<i32>} : memref<4x128xi32, #tpu.memory_space<vmem>>, vector<1x16xi32>,
    %get3A_515 = vector.shape_cast %get3A_514 : vector<1x16xi32> to vector<16xi32>
    %shift_right_logical3A_516 = arith.constant 13 : i32
    %shift_right_logical3A_517 = vector.broadcast %shift_right_logical3A_516 : i32 to vector<16xi32>
    %shift_right_logical3A_518 = arith.shrui %get3A_510, %shift_right_logical3A_517 : vector<16xi32>
    %shift_left3A_519 = arith.constant 11 : i32
    %shift_left3A_520 = vector.broadcast %shift_left3A_519 : i32 to vector<16xi32>
    %shift_left3A_521 = arith.shli %shift_right_logical3A_518, %shift_left3A_520 : vector<16xi32>
    %and3A_522 = arith.constant 2047 : i32
    %and3A_523 = vector.broadcast %and3A_522 : i32 to vector<16xi32>
    %and3A_524 = arith.andi %get3A_510, %and3A_523 : vector<16xi32>
    %add3A_525 = arith.addi %shift_left3A_521, %and3A_524 : vector<16xi32>
    %swap3A_526 = arith.constant 1 : i32
    %swap3A_527 = arith.index_cast %swap3A_526 : i32 to index
    %swap3A_528 = arith.constant 64 : index
    %swap3A_529 = tpu.vector_load %arg10[%swap3A_527, %swap3A_528] {strides = array<i32>} : memref<4x128xi32, #tpu.memory_space<vmem>>, vector<1x16xi32>,
    %swap3A_530 = vector.shape_cast %swap3A_529 : vector<1x16xi32> to vector<16xi32>
    %swap3A_531 = vector.shape_cast %add3A_525 : vector<16xi32> to vector<1x16xi32>
    tpu.vector_store %arg10[%swap3A_527, %swap3A_528], %swap3A_531 {strides = array<i32>} : memref<4x128xi32, #tpu.memory_space<vmem>>, vector<1x16xi32>,
    %shift_right_logical3A_532 = arith.constant 13 : i32
    %shift_right_logical3A_533 = vector.broadcast %shift_right_logical3A_532 : i32 to vector<16xi32>
    %shift_right_logical3A_534 = arith.shrui %get3A_515, %shift_right_logical3A_533 : vector<16xi32>
    %shift_left3A_535 = arith.constant 11 : i32
    %shift_left3A_536 = vector.broadcast %shift_left3A_535 : i32 to vector<16xi32>
    %shift_left3A_537 = arith.shli %shift_right_logical3A_534, %shift_left3A_536 : vector<16xi32>
    %and3A_538 = arith.constant 2047 : i32
    %and3A_539 = vector.broadcast %and3A_538 : i32 to vector<16xi32>
    %and3A_540 = arith.andi %get3A_515, %and3A_539 : vector<16xi32>
    %add3A_541 = arith.addi %shift_left3A_537, %and3A_540 : vector<16xi32>
    %swap3A_542 = arith.constant 1 : i32
    %swap3A_543 = arith.index_cast %swap3A_542 : i32 to index
    %swap3A_544 = arith.constant 64 : index
    %swap3A_545 = tpu.vector_load %arg11[%swap3A_543, %swap3A_544] {strides = array<i32>} : memref<4x128xi32, #tpu.memory_space<vmem>>, vector<1x16xi32>,
    %swap3A_546 = vector.shape_cast %swap3A_545 : vector<1x16xi32> to vector<16xi32>
    %swap3A_547 = vector.shape_cast %add3A_541 : vector<16xi32> to vector<1x16xi32>
    tpu.vector_store %arg11[%swap3A_543, %swap3A_544], %swap3A_547 {strides = array<i32>} : memref<4x128xi32, #tpu.memory_space<vmem>>, vector<1x16xi32>,
    %get3A_548 = arith.constant 1 : i32
    %get3A_549 = arith.index_cast %get3A_548 : i32 to index
    %get3A_550 = arith.constant 80 : index
    %get3A_551 = tpu.vector_load %arg8[%get3A_549, %get3A_550] {strides = array<i32>} : memref<4x128xi32, #tpu.memory_space<vmem>>, vector<1x16xi32>,
    %get3A_552 = vector.shape_cast %get3A_551 : vector<1x16xi32> to vector<16xi32>
    %get3A_553 = arith.constant 1 : i32
    %get3A_554 = arith.index_cast %get3A_553 : i32 to index
    %get3A_555 = arith.constant 80 : index
    %get3A_556 = tpu.vector_load %arg9[%get3A_554, %get3A_555] {strides = array<i32>} : memref<4x128xi32, #tpu.memory_space<vmem>>, vector<1x16xi32>,
    %get3A_557 = vector.shape_cast %get3A_556 : vector<1x16xi32> to vector<16xi32>
    %shift_right_logical3A_558 = arith.constant 13 : i32
    %shift_right_logical3A_559 = vector.broadcast %shift_right_logical3A_558 : i32 to vector<16xi32>
    %shift_right_logical3A_560 = arith.shrui %get3A_552, %shift_right_logical3A_559 : vector<16xi32>
    %shift_left3A_561 = arith.constant 11 : i32
    %shift_left3A_562 = vector.broadcast %shift_left3A_561 : i32 to vector<16xi32>
    %shift_left3A_563 = arith.shli %shift_right_logical3A_560, %shift_left3A_562 : vector<16xi32>
    %and3A_564 = arith.constant 2047 : i32
    %and3A_565 = vector.broadcast %and3A_564 : i32 to vector<16xi32>
    %and3A_566 = arith.andi %get3A_552, %and3A_565 : vector<16xi32>
    %add3A_567 = arith.addi %shift_left3A_563, %and3A_566 : vector<16xi32>
    %swap3A_568 = arith.constant 1 : i32
    %swap3A_569 = arith.index_cast %swap3A_568 : i32 to index
    %swap3A_570 = arith.constant 80 : index
    %swap3A_571 = tpu.vector_load %arg10[%swap3A_569, %swap3A_570] {strides = array<i32>} : memref<4x128xi32, #tpu.memory_space<vmem>>, vector<1x16xi32>,
    %swap3A_572 = vector.shape_cast %swap3A_571 : vector<1x16xi32> to vector<16xi32>
    %swap3A_573 = vector.shape_cast %add3A_567 : vector<16xi32> to vector<1x16xi32>
    tpu.vector_store %arg10[%swap3A_569, %swap3A_570], %swap3A_573 {strides = array<i32>} : memref<4x128xi32, #tpu.memory_space<vmem>>, vector<1x16xi32>,
    %shift_right_logical3A_574 = arith.constant 13 : i32
    %shift_right_logical3A_575 = vector.broadcast %shift_right_logical3A_574 : i32 to vector<16xi32>
    %shift_right_logical3A_576 = arith.shrui %get3A_557, %shift_right_logical3A_575 : vector<16xi32>
    %shift_left3A_577 = arith.constant 11 : i32
    %shift_left3A_578 = vector.broadcast %shift_left3A_577 : i32 to vector<16xi32>
    %shift_left3A_579 = arith.shli %shift_right_logical3A_576, %shift_left3A_578 : vector<16xi32>
    %and3A_580 = arith.constant 2047 : i32
    %and3A_581 = vector.broadcast %and3A_580 : i32 to vector<16xi32>
    %and3A_582 = arith.andi %get3A_557, %and3A_581 : vector<16xi32>
    %add3A_583 = arith.addi %shift_left3A_579, %and3A_582 : vector<16xi32>
    %swap3A_584 = arith.constant 1 : i32
    %swap3A_585 = arith.index_cast %swap3A_584 : i32 to index
    %swap3A_586 = arith.constant 80 : index
    %swap3A_587 = tpu.vector_load %arg11[%swap3A_585, %swap3A_586] {strides = array<i32>} : memref<4x128xi32, #tpu.memory_space<vmem>>, vector<1x16xi32>,
    %swap3A_588 = vector.shape_cast %swap3A_587 : vector<1x16xi32> to vector<16xi32>
    %swap3A_589 = vector.shape_cast %add3A_583 : vector<16xi32> to vector<1x16xi32>
    tpu.vector_store %arg11[%swap3A_585, %swap3A_586], %swap3A_589 {strides = array<i32>} : memref<4x128xi32, #tpu.memory_space<vmem>>, vector<1x16xi32>,
    %get3A_590 = arith.constant 1 : i32
    %get3A_591 = arith.index_cast %get3A_590 : i32 to index
    %get3A_592 = arith.constant 96 : index
    %get3A_593 = tpu.vector_load %arg8[%get3A_591, %get3A_592] {strides = array<i32>} : memref<4x128xi32, #tpu.memory_space<vmem>>, vector<1x16xi32>,
    %get3A_594 = vector.shape_cast %get3A_593 : vector<1x16xi32> to vector<16xi32>
    %get3A_595 = arith.constant 1 : i32
    %get3A_596 = arith.index_cast %get3A_595 : i32 to index
    %get3A_597 = arith.constant 96 : index
    %get3A_598 = tpu.vector_load %arg9[%get3A_596, %get3A_597] {strides = array<i32>} : memref<4x128xi32, #tpu.memory_space<vmem>>, vector<1x16xi32>,
    %get3A_599 = vector.shape_cast %get3A_598 : vector<1x16xi32> to vector<16xi32>
    %shift_right_logical3A_600 = arith.constant 13 : i32
    %shift_right_logical3A_601 = vector.broadcast %shift_right_logical3A_600 : i32 to vector<16xi32>
    %shift_right_logical3A_602 = arith.shrui %get3A_594, %shift_right_logical3A_601 : vector<16xi32>
    %shift_left3A_603 = arith.constant 11 : i32
    %shift_left3A_604 = vector.broadcast %shift_left3A_603 : i32 to vector<16xi32>
    %shift_left3A_605 = arith.shli %shift_right_logical3A_602, %shift_left3A_604 : vector<16xi32>
    %and3A_606 = arith.constant 2047 : i32
    %and3A_607 = vector.broadcast %and3A_606 : i32 to vector<16xi32>
    %and3A_608 = arith.andi %get3A_594, %and3A_607 : vector<16xi32>
    %add3A_609 = arith.addi %shift_left3A_605, %and3A_608 : vector<16xi32>
    %swap3A_610 = arith.constant 1 : i32
    %swap3A_611 = arith.index_cast %swap3A_610 : i32 to index
    %swap3A_612 = arith.constant 96 : index
    %swap3A_613 = tpu.vector_load %arg10[%swap3A_611, %swap3A_612] {strides = array<i32>} : memref<4x128xi32, #tpu.memory_space<vmem>>, vector<1x16xi32>,
    %swap3A_614 = vector.shape_cast %swap3A_613 : vector<1x16xi32> to vector<16xi32>
    %swap3A_615 = vector.shape_cast %add3A_609 : vector<16xi32> to vector<1x16xi32>
    tpu.vector_store %arg10[%swap3A_611, %swap3A_612], %swap3A_615 {strides = array<i32>} : memref<4x128xi32, #tpu.memory_space<vmem>>, vector<1x16xi32>,
    %shift_right_logical3A_616 = arith.constant 13 : i32
    %shift_right_logical3A_617 = vector.broadcast %shift_right_logical3A_616 : i32 to vector<16xi32>
    %shift_right_logical3A_618 = arith.shrui %get3A_599, %shift_right_logical3A_617 : vector<16xi32>
    %shift_left3A_619 = arith.constant 11 : i32
    %shift_left3A_620 = vector.broadcast %shift_left3A_619 : i32 to vector<16xi32>
    %shift_left3A_621 = arith.shli %shift_right_logical3A_618, %shift_left3A_620 : vector<16xi32>
    %and3A_622 = arith.constant 2047 : i32
    %and3A_623 = vector.broadcast %and3A_622 : i32 to vector<16xi32>
    %and3A_624 = arith.andi %get3A_599, %and3A_623 : vector<16xi32>
    %add3A_625 = arith.addi %shift_left3A_621, %and3A_624 : vector<16xi32>
    %swap3A_626 = arith.constant 1 : i32
    %swap3A_627 = arith.index_cast %swap3A_626 : i32 to index
    %swap3A_628 = arith.constant 96 : index
    %swap3A_629 = tpu.vector_load %arg11[%swap3A_627, %swap3A_628] {strides = array<i32>} : memref<4x128xi32, #tpu.memory_space<vmem>>, vector<1x16xi32>,
    %swap3A_630 = vector.shape_cast %swap3A_629 : vector<1x16xi32> to vector<16xi32>
    %swap3A_631 = vector.shape_cast %add3A_625 : vector<16xi32> to vector<1x16xi32>
    tpu.vector_store %arg11[%swap3A_627, %swap3A_628], %swap3A_631 {strides = array<i32>} : memref<4x128xi32, #tpu.memory_space<vmem>>, vector<1x16xi32>,
    %get3A_632 = arith.constant 1 : i32
    %get3A_633 = arith.index_cast %get3A_632 : i32 to index
    %get3A_634 = arith.constant 112 : index
    %get3A_635 = tpu.vector_load %arg8[%get3A_633, %get3A_634] {strides = array<i32>} : memref<4x128xi32, #tpu.memory_space<vmem>>, vector<1x16xi32>,
    %get3A_636 = vector.shape_cast %get3A_635 : vector<1x16xi32> to vector<16xi32>
    %get3A_637 = arith.constant 1 : i32
    %get3A_638 = arith.index_cast %get3A_637 : i32 to index
    %get3A_639 = arith.constant 112 : index
    %get3A_640 = tpu.vector_load %arg9[%get3A_638, %get3A_639] {strides = array<i32>} : memref<4x128xi32, #tpu.memory_space<vmem>>, vector<1x16xi32>,
    %get3A_641 = vector.shape_cast %get3A_640 : vector<1x16xi32> to vector<16xi32>
    %shift_right_logical3A_642 = arith.constant 13 : i32
    %shift_right_logical3A_643 = vector.broadcast %shift_right_logical3A_642 : i32 to vector<16xi32>
    %shift_right_logical3A_644 = arith.shrui %get3A_636, %shift_right_logical3A_643 : vector<16xi32>
    %shift_left3A_645 = arith.constant 11 : i32
    %shift_left3A_646 = vector.broadcast %shift_left3A_645 : i32 to vector<16xi32>
    %shift_left3A_647 = arith.shli %shift_right_logical3A_644, %shift_left3A_646 : vector<16xi32>
    %and3A_648 = arith.constant 2047 : i32
    %and3A_649 = vector.broadcast %and3A_648 : i32 to vector<16xi32>
    %and3A_650 = arith.andi %get3A_636, %and3A_649 : vector<16xi32>
    %add3A_651 = arith.addi %shift_left3A_647, %and3A_650 : vector<16xi32>
    %swap3A_652 = arith.constant 1 : i32
    %swap3A_653 = arith.index_cast %swap3A_652 : i32 to index
    %swap3A_654 = arith.constant 112 : index
    %swap3A_655 = tpu.vector_load %arg10[%swap3A_653, %swap3A_654] {strides = array<i32>} : memref<4x128xi32, #tpu.memory_space<vmem>>, vector<1x16xi32>,
    %swap3A_656 = vector.shape_cast %swap3A_655 : vector<1x16xi32> to vector<16xi32>
    %swap3A_657 = vector.shape_cast %add3A_651 : vector<16xi32> to vector<1x16xi32>
    tpu.vector_store %arg10[%swap3A_653, %swap3A_654], %swap3A_657 {strides = array<i32>} : memref<4x128xi32, #tpu.memory_space<vmem>>, vector<1x16xi32>,
    %shift_right_logical3A_658 = arith.constant 13 : i32
    %shift_right_logical3A_659 = vector.broadcast %shift_right_logical3A_658 : i32 to vector<16xi32>
    %shift_right_logical3A_660 = arith.shrui %get3A_641, %shift_right_logical3A_659 : vector<16xi32>
    %shift_left3A_661 = arith.constant 11 : i32
    %shift_left3A_662 = vector.broadcast %shift_left3A_661 : i32 to vector<16xi32>
    %shift_left3A_663 = arith.shli %shift_right_logical3A_660, %shift_left3A_662 : vector<16xi32>
    %and3A_664 = arith.constant 2047 : i32
    %and3A_665 = vector.broadcast %and3A_664 : i32 to vector<16xi32>
    %and3A_666 = arith.andi %get3A_641, %and3A_665 : vector<16xi32>
    %add3A_667 = arith.addi %shift_left3A_663, %and3A_666 : vector<16xi32>
    %swap3A_668 = arith.constant 1 : i32
    %swap3A_669 = arith.index_cast %swap3A_668 : i32 to index
    %swap3A_670 = arith.constant 112 : index
    %swap3A_671 = tpu.vector_load %arg11[%swap3A_669, %swap3A_670] {strides = array<i32>} : memref<4x128xi32, #tpu.memory_space<vmem>>, vector<1x16xi32>,
    %swap3A_672 = vector.shape_cast %swap3A_671 : vector<1x16xi32> to vector<16xi32>
    %swap3A_673 = vector.shape_cast %add3A_667 : vector<16xi32> to vector<1x16xi32>
    tpu.vector_store %arg11[%swap3A_669, %swap3A_670], %swap3A_673 {strides = array<i32>} : memref<4x128xi32, #tpu.memory_space<vmem>>, vector<1x16xi32>,
    %get3A_674 = arith.constant 2 : i32
    %get3A_675 = arith.index_cast %get3A_674 : i32 to index
    %get3A_676 = arith.constant 0 : index
    %get3A_677 = tpu.vector_load %arg8[%get3A_675, %get3A_676] {strides = array<i32>} : memref<4x128xi32, #tpu.memory_space<vmem>>, vector<1x16xi32>,
    %get3A_678 = vector.shape_cast %get3A_677 : vector<1x16xi32> to vector<16xi32>
    %get3A_679 = arith.constant 2 : i32
    %get3A_680 = arith.index_cast %get3A_679 : i32 to index
    %get3A_681 = arith.constant 0 : index
    %get3A_682 = tpu.vector_load %arg9[%get3A_680, %get3A_681] {strides = array<i32>} : memref<4x128xi32, #tpu.memory_space<vmem>>, vector<1x16xi32>,
    %get3A_683 = vector.shape_cast %get3A_682 : vector<1x16xi32> to vector<16xi32>
    %shift_right_logical3A_684 = arith.constant 13 : i32
    %shift_right_logical3A_685 = vector.broadcast %shift_right_logical3A_684 : i32 to vector<16xi32>
    %shift_right_logical3A_686 = arith.shrui %get3A_678, %shift_right_logical3A_685 : vector<16xi32>
    %shift_left3A_687 = arith.constant 11 : i32
    %shift_left3A_688 = vector.broadcast %shift_left3A_687 : i32 to vector<16xi32>
    %shift_left3A_689 = arith.shli %shift_right_logical3A_686, %shift_left3A_688 : vector<16xi32>
    %and3A_690 = arith.constant 2047 : i32
    %and3A_691 = vector.broadcast %and3A_690 : i32 to vector<16xi32>
    %and3A_692 = arith.andi %get3A_678, %and3A_691 : vector<16xi32>
    %add3A_693 = arith.addi %shift_left3A_689, %and3A_692 : vector<16xi32>
    %swap3A_694 = arith.constant 2 : i32
    %swap3A_695 = arith.index_cast %swap3A_694 : i32 to index
    %swap3A_696 = arith.constant 0 : index
    %swap3A_697 = tpu.vector_load %arg10[%swap3A_695, %swap3A_696] {strides = array<i32>} : memref<4x128xi32, #tpu.memory_space<vmem>>, vector<1x16xi32>,
    %swap3A_698 = vector.shape_cast %swap3A_697 : vector<1x16xi32> to vector<16xi32>
    %swap3A_699 = vector.shape_cast %add3A_693 : vector<16xi32> to vector<1x16xi32>
    tpu.vector_store %arg10[%swap3A_695, %swap3A_696], %swap3A_699 {strides = array<i32>} : memref<4x128xi32, #tpu.memory_space<vmem>>, vector<1x16xi32>,
    %shift_right_logical3A_700 = arith.constant 13 : i32
    %shift_right_logical3A_701 = vector.broadcast %shift_right_logical3A_700 : i32 to vector<16xi32>
    %shift_right_logical3A_702 = arith.shrui %get3A_683, %shift_right_logical3A_701 : vector<16xi32>
    %shift_left3A_703 = arith.constant 11 : i32
    %shift_left3A_704 = vector.broadcast %shift_left3A_703 : i32 to vector<16xi32>
    %shift_left3A_705 = arith.shli %shift_right_logical3A_702, %shift_left3A_704 : vector<16xi32>
    %and3A_706 = arith.constant 2047 : i32
    %and3A_707 = vector.broadcast %and3A_706 : i32 to vector<16xi32>
    %and3A_708 = arith.andi %get3A_683, %and3A_707 : vector<16xi32>
    %add3A_709 = arith.addi %shift_left3A_705, %and3A_708 : vector<16xi32>
    %swap3A_710 = arith.constant 2 : i32
    %swap3A_711 = arith.index_cast %swap3A_710 : i32 to index
    %swap3A_712 = arith.constant 0 : index
    %swap3A_713 = tpu.vector_load %arg11[%swap3A_711, %swap3A_712] {strides = array<i32>} : memref<4x128xi32, #tpu.memory_space<vmem>>, vector<1x16xi32>,
    %swap3A_714 = vector.shape_cast %swap3A_713 : vector<1x16xi32> to vector<16xi32>
    %swap3A_715 = vector.shape_cast %add3A_709 : vector<16xi32> to vector<1x16xi32>
    tpu.vector_store %arg11[%swap3A_711, %swap3A_712], %swap3A_715 {strides = array<i32>} : memref<4x128xi32, #tpu.memory_space<vmem>>, vector<1x16xi32>,
    %get3A_716 = arith.constant 2 : i32
    %get3A_717 = arith.index_cast %get3A_716 : i32 to index
    %get3A_718 = arith.constant 16 : index
    %get3A_719 = tpu.vector_load %arg8[%get3A_717, %get3A_718] {strides = array<i32>} : memref<4x128xi32, #tpu.memory_space<vmem>>, vector<1x16xi32>,
    %get3A_720 = vector.shape_cast %get3A_719 : vector<1x16xi32> to vector<16xi32>
    %get3A_721 = arith.constant 2 : i32
    %get3A_722 = arith.index_cast %get3A_721 : i32 to index
    %get3A_723 = arith.constant 16 : index
    %get3A_724 = tpu.vector_load %arg9[%get3A_722, %get3A_723] {strides = array<i32>} : memref<4x128xi32, #tpu.memory_space<vmem>>, vector<1x16xi32>,
    %get3A_725 = vector.shape_cast %get3A_724 : vector<1x16xi32> to vector<16xi32>
    %shift_right_logical3A_726 = arith.constant 13 : i32
    %shift_right_logical3A_727 = vector.broadcast %shift_right_logical3A_726 : i32 to vector<16xi32>
    %shift_right_logical3A_728 = arith.shrui %get3A_720, %shift_right_logical3A_727 : vector<16xi32>
    %shift_left3A_729 = arith.constant 11 : i32
    %shift_left3A_730 = vector.broadcast %shift_left3A_729 : i32 to vector<16xi32>
    %shift_left3A_731 = arith.shli %shift_right_logical3A_728, %shift_left3A_730 : vector<16xi32>
    %and3A_732 = arith.constant 2047 : i32
    %and3A_733 = vector.broadcast %and3A_732 : i32 to vector<16xi32>
    %and3A_734 = arith.andi %get3A_720, %and3A_733 : vector<16xi32>
    %add3A_735 = arith.addi %shift_left3A_731, %and3A_734 : vector<16xi32>
    %swap3A_736 = arith.constant 2 : i32
    %swap3A_737 = arith.index_cast %swap3A_736 : i32 to index
    %swap3A_738 = arith.constant 16 : index
    %swap3A_739 = tpu.vector_load %arg10[%swap3A_737, %swap3A_738] {strides = array<i32>} : memref<4x128xi32, #tpu.memory_space<vmem>>, vector<1x16xi32>,
    %swap3A_740 = vector.shape_cast %swap3A_739 : vector<1x16xi32> to vector<16xi32>
    %swap3A_741 = vector.shape_cast %add3A_735 : vector<16xi32> to vector<1x16xi32>
    tpu.vector_store %arg10[%swap3A_737, %swap3A_738], %swap3A_741 {strides = array<i32>} : memref<4x128xi32, #tpu.memory_space<vmem>>, vector<1x16xi32>,
    %shift_right_logical3A_742 = arith.constant 13 : i32
    %shift_right_logical3A_743 = vector.broadcast %shift_right_logical3A_742 : i32 to vector<16xi32>
    %shift_right_logical3A_744 = arith.shrui %get3A_725, %shift_right_logical3A_743 : vector<16xi32>
    %shift_left3A_745 = arith.constant 11 : i32
    %shift_left3A_746 = vector.broadcast %shift_left3A_745 : i32 to vector<16xi32>
    %shift_left3A_747 = arith.shli %shift_right_logical3A_744, %shift_left3A_746 : vector<16xi32>
    %and3A_748 = arith.constant 2047 : i32
    %and3A_749 = vector.broadcast %and3A_748 : i32 to vector<16xi32>
    %and3A_750 = arith.andi %get3A_725, %and3A_749 : vector<16xi32>
    %add3A_751 = arith.addi %shift_left3A_747, %and3A_750 : vector<16xi32>
    %swap3A_752 = arith.constant 2 : i32
    %swap3A_753 = arith.index_cast %swap3A_752 : i32 to index
    %swap3A_754 = arith.constant 16 : index
    %swap3A_755 = tpu.vector_load %arg11[%swap3A_753, %swap3A_754] {strides = array<i32>} : memref<4x128xi32, #tpu.memory_space<vmem>>, vector<1x16xi32>,
    %swap3A_756 = vector.shape_cast %swap3A_755 : vector<1x16xi32> to vector<16xi32>
    %swap3A_757 = vector.shape_cast %add3A_751 : vector<16xi32> to vector<1x16xi32>
    tpu.vector_store %arg11[%swap3A_753, %swap3A_754], %swap3A_757 {strides = array<i32>} : memref<4x128xi32, #tpu.memory_space<vmem>>, vector<1x16xi32>,
    %get3A_758 = arith.constant 2 : i32
    %get3A_759 = arith.index_cast %get3A_758 : i32 to index
    %get3A_760 = arith.constant 32 : index
    %get3A_761 = tpu.vector_load %arg8[%get3A_759, %get3A_760] {strides = array<i32>} : memref<4x128xi32, #tpu.memory_space<vmem>>, vector<1x16xi32>,
    %get3A_762 = vector.shape_cast %get3A_761 : vector<1x16xi32> to vector<16xi32>
    %get3A_763 = arith.constant 2 : i32
    %get3A_764 = arith.index_cast %get3A_763 : i32 to index
    %get3A_765 = arith.constant 32 : index
    %get3A_766 = tpu.vector_load %arg9[%get3A_764, %get3A_765] {strides = array<i32>} : memref<4x128xi32, #tpu.memory_space<vmem>>, vector<1x16xi32>,
    %get3A_767 = vector.shape_cast %get3A_766 : vector<1x16xi32> to vector<16xi32>
    %shift_right_logical3A_768 = arith.constant 13 : i32
    %shift_right_logical3A_769 = vector.broadcast %shift_right_logical3A_768 : i32 to vector<16xi32>
    %shift_right_logical3A_770 = arith.shrui %get3A_762, %shift_right_logical3A_769 : vector<16xi32>
    %shift_left3A_771 = arith.constant 11 : i32
    %shift_left3A_772 = vector.broadcast %shift_left3A_771 : i32 to vector<16xi32>
    %shift_left3A_773 = arith.shli %shift_right_logical3A_770, %shift_left3A_772 : vector<16xi32>
    %and3A_774 = arith.constant 2047 : i32
    %and3A_775 = vector.broadcast %and3A_774 : i32 to vector<16xi32>
    %and3A_776 = arith.andi %get3A_762, %and3A_775 : vector<16xi32>
    %add3A_777 = arith.addi %shift_left3A_773, %and3A_776 : vector<16xi32>
    %swap3A_778 = arith.constant 2 : i32
    %swap3A_779 = arith.index_cast %swap3A_778 : i32 to index
    %swap3A_780 = arith.constant 32 : index
    %swap3A_781 = tpu.vector_load %arg10[%swap3A_779, %swap3A_780] {strides = array<i32>} : memref<4x128xi32, #tpu.memory_space<vmem>>, vector<1x16xi32>,
    %swap3A_782 = vector.shape_cast %swap3A_781 : vector<1x16xi32> to vector<16xi32>
    %swap3A_783 = vector.shape_cast %add3A_777 : vector<16xi32> to vector<1x16xi32>
    tpu.vector_store %arg10[%swap3A_779, %swap3A_780], %swap3A_783 {strides = array<i32>} : memref<4x128xi32, #tpu.memory_space<vmem>>, vector<1x16xi32>,
    %shift_right_logical3A_784 = arith.constant 13 : i32
    %shift_right_logical3A_785 = vector.broadcast %shift_right_logical3A_784 : i32 to vector<16xi32>
    %shift_right_logical3A_786 = arith.shrui %get3A_767, %shift_right_logical3A_785 : vector<16xi32>
    %shift_left3A_787 = arith.constant 11 : i32
    %shift_left3A_788 = vector.broadcast %shift_left3A_787 : i32 to vector<16xi32>
    %shift_left3A_789 = arith.shli %shift_right_logical3A_786, %shift_left3A_788 : vector<16xi32>
    %and3A_790 = arith.constant 2047 : i32
    %and3A_791 = vector.broadcast %and3A_790 : i32 to vector<16xi32>
    %and3A_792 = arith.andi %get3A_767, %and3A_791 : vector<16xi32>
    %add3A_793 = arith.addi %shift_left3A_789, %and3A_792 : vector<16xi32>
    %swap3A_794 = arith.constant 2 : i32
    %swap3A_795 = arith.index_cast %swap3A_794 : i32 to index
    %swap3A_796 = arith.constant 32 : index
    %swap3A_797 = tpu.vector_load %arg11[%swap3A_795, %swap3A_796] {strides = array<i32>} : memref<4x128xi32, #tpu.memory_space<vmem>>, vector<1x16xi32>,
    %swap3A_798 = vector.shape_cast %swap3A_797 : vector<1x16xi32> to vector<16xi32>
    %swap3A_799 = vector.shape_cast %add3A_793 : vector<16xi32> to vector<1x16xi32>
    tpu.vector_store %arg11[%swap3A_795, %swap3A_796], %swap3A_799 {strides = array<i32>} : memref<4x128xi32, #tpu.memory_space<vmem>>, vector<1x16xi32>,
    %get3A_800 = arith.constant 2 : i32
    %get3A_801 = arith.index_cast %get3A_800 : i32 to index
    %get3A_802 = arith.constant 48 : index
    %get3A_803 = tpu.vector_load %arg8[%get3A_801, %get3A_802] {strides = array<i32>} : memref<4x128xi32, #tpu.memory_space<vmem>>, vector<1x16xi32>,
    %get3A_804 = vector.shape_cast %get3A_803 : vector<1x16xi32> to vector<16xi32>
    %get3A_805 = arith.constant 2 : i32
    %get3A_806 = arith.index_cast %get3A_805 : i32 to index
    %get3A_807 = arith.constant 48 : index
    %get3A_808 = tpu.vector_load %arg9[%get3A_806, %get3A_807] {strides = array<i32>} : memref<4x128xi32, #tpu.memory_space<vmem>>, vector<1x16xi32>,
    %get3A_809 = vector.shape_cast %get3A_808 : vector<1x16xi32> to vector<16xi32>
    %shift_right_logical3A_810 = arith.constant 13 : i32
    %shift_right_logical3A_811 = vector.broadcast %shift_right_logical3A_810 : i32 to vector<16xi32>
    %shift_right_logical3A_812 = arith.shrui %get3A_804, %shift_right_logical3A_811 : vector<16xi32>
    %shift_left3A_813 = arith.constant 11 : i32
    %shift_left3A_814 = vector.broadcast %shift_left3A_813 : i32 to vector<16xi32>
    %shift_left3A_815 = arith.shli %shift_right_logical3A_812, %shift_left3A_814 : vector<16xi32>
    %and3A_816 = arith.constant 2047 : i32
    %and3A_817 = vector.broadcast %and3A_816 : i32 to vector<16xi32>
    %and3A_818 = arith.andi %get3A_804, %and3A_817 : vector<16xi32>
    %add3A_819 = arith.addi %shift_left3A_815, %and3A_818 : vector<16xi32>
    %swap3A_820 = arith.constant 2 : i32
    %swap3A_821 = arith.index_cast %swap3A_820 : i32 to index
    %swap3A_822 = arith.constant 48 : index
    %swap3A_823 = tpu.vector_load %arg10[%swap3A_821, %swap3A_822] {strides = array<i32>} : memref<4x128xi32, #tpu.memory_space<vmem>>, vector<1x16xi32>,
    %swap3A_824 = vector.shape_cast %swap3A_823 : vector<1x16xi32> to vector<16xi32>
    %swap3A_825 = vector.shape_cast %add3A_819 : vector<16xi32> to vector<1x16xi32>
    tpu.vector_store %arg10[%swap3A_821, %swap3A_822], %swap3A_825 {strides = array<i32>} : memref<4x128xi32, #tpu.memory_space<vmem>>, vector<1x16xi32>,
    %shift_right_logical3A_826 = arith.constant 13 : i32
    %shift_right_logical3A_827 = vector.broadcast %shift_right_logical3A_826 : i32 to vector<16xi32>
    %shift_right_logical3A_828 = arith.shrui %get3A_809, %shift_right_logical3A_827 : vector<16xi32>
    %shift_left3A_829 = arith.constant 11 : i32
    %shift_left3A_830 = vector.broadcast %shift_left3A_829 : i32 to vector<16xi32>
    %shift_left3A_831 = arith.shli %shift_right_logical3A_828, %shift_left3A_830 : vector<16xi32>
    %and3A_832 = arith.constant 2047 : i32
    %and3A_833 = vector.broadcast %and3A_832 : i32 to vector<16xi32>
    %and3A_834 = arith.andi %get3A_809, %and3A_833 : vector<16xi32>
    %add3A_835 = arith.addi %shift_left3A_831, %and3A_834 : vector<16xi32>
    %swap3A_836 = arith.constant 2 : i32
    %swap3A_837 = arith.index_cast %swap3A_836 : i32 to index
    %swap3A_838 = arith.constant 48 : index
    %swap3A_839 = tpu.vector_load %arg11[%swap3A_837, %swap3A_838] {strides = array<i32>} : memref<4x128xi32, #tpu.memory_space<vmem>>, vector<1x16xi32>,
    %swap3A_840 = vector.shape_cast %swap3A_839 : vector<1x16xi32> to vector<16xi32>
    %swap3A_841 = vector.shape_cast %add3A_835 : vector<16xi32> to vector<1x16xi32>
    tpu.vector_store %arg11[%swap3A_837, %swap3A_838], %swap3A_841 {strides = array<i32>} : memref<4x128xi32, #tpu.memory_space<vmem>>, vector<1x16xi32>,
    %get3A_842 = arith.constant 2 : i32
    %get3A_843 = arith.index_cast %get3A_842 : i32 to index
    %get3A_844 = arith.constant 64 : index
    %get3A_845 = tpu.vector_load %arg8[%get3A_843, %get3A_844] {strides = array<i32>} : memref<4x128xi32, #tpu.memory_space<vmem>>, vector<1x16xi32>,
    %get3A_846 = vector.shape_cast %get3A_845 : vector<1x16xi32> to vector<16xi32>
    %get3A_847 = arith.constant 2 : i32
    %get3A_848 = arith.index_cast %get3A_847 : i32 to index
    %get3A_849 = arith.constant 64 : index
    %get3A_850 = tpu.vector_load %arg9[%get3A_848, %get3A_849] {strides = array<i32>} : memref<4x128xi32, #tpu.memory_space<vmem>>, vector<1x16xi32>,
    %get3A_851 = vector.shape_cast %get3A_850 : vector<1x16xi32> to vector<16xi32>
    %shift_right_logical3A_852 = arith.constant 13 : i32
    %shift_right_logical3A_853 = vector.broadcast %shift_right_logical3A_852 : i32 to vector<16xi32>
    %shift_right_logical3A_854 = arith.shrui %get3A_846, %shift_right_logical3A_853 : vector<16xi32>
    %shift_left3A_855 = arith.constant 11 : i32
    %shift_left3A_856 = vector.broadcast %shift_left3A_855 : i32 to vector<16xi32>
    %shift_left3A_857 = arith.shli %shift_right_logical3A_854, %shift_left3A_856 : vector<16xi32>
    %and3A_858 = arith.constant 2047 : i32
    %and3A_859 = vector.broadcast %and3A_858 : i32 to vector<16xi32>
    %and3A_860 = arith.andi %get3A_846, %and3A_859 : vector<16xi32>
    %add3A_861 = arith.addi %shift_left3A_857, %and3A_860 : vector<16xi32>
    %swap3A_862 = arith.constant 2 : i32
    %swap3A_863 = arith.index_cast %swap3A_862 : i32 to index
    %swap3A_864 = arith.constant 64 : index
    %swap3A_865 = tpu.vector_load %arg10[%swap3A_863, %swap3A_864] {strides = array<i32>} : memref<4x128xi32, #tpu.memory_space<vmem>>, vector<1x16xi32>,
    %swap3A_866 = vector.shape_cast %swap3A_865 : vector<1x16xi32> to vector<16xi32>
    %swap3A_867 = vector.shape_cast %add3A_861 : vector<16xi32> to vector<1x16xi32>
    tpu.vector_store %arg10[%swap3A_863, %swap3A_864], %swap3A_867 {strides = array<i32>} : memref<4x128xi32, #tpu.memory_space<vmem>>, vector<1x16xi32>,
    %shift_right_logical3A_868 = arith.constant 13 : i32
    %shift_right_logical3A_869 = vector.broadcast %shift_right_logical3A_868 : i32 to vector<16xi32>
    %shift_right_logical3A_870 = arith.shrui %get3A_851, %shift_right_logical3A_869 : vector<16xi32>
    %shift_left3A_871 = arith.constant 11 : i32
    %shift_left3A_872 = vector.broadcast %shift_left3A_871 : i32 to vector<16xi32>
    %shift_left3A_873 = arith.shli %shift_right_logical3A_870, %shift_left3A_872 : vector<16xi32>
    %and3A_874 = arith.constant 2047 : i32
    %and3A_875 = vector.broadcast %and3A_874 : i32 to vector<16xi32>
    %and3A_876 = arith.andi %get3A_851, %and3A_875 : vector<16xi32>
    %add3A_877 = arith.addi %shift_left3A_873, %and3A_876 : vector<16xi32>
    %swap3A_878 = arith.constant 2 : i32
    %swap3A_879 = arith.index_cast %swap3A_878 : i32 to index
    %swap3A_880 = arith.constant 64 : index
    %swap3A_881 = tpu.vector_load %arg11[%swap3A_879, %swap3A_880] {strides = array<i32>} : memref<4x128xi32, #tpu.memory_space<vmem>>, vector<1x16xi32>,
    %swap3A_882 = vector.shape_cast %swap3A_881 : vector<1x16xi32> to vector<16xi32>
    %swap3A_883 = vector.shape_cast %add3A_877 : vector<16xi32> to vector<1x16xi32>
    tpu.vector_store %arg11[%swap3A_879, %swap3A_880], %swap3A_883 {strides = array<i32>} : memref<4x128xi32, #tpu.memory_space<vmem>>, vector<1x16xi32>,
    %get3A_884 = arith.constant 2 : i32
    %get3A_885 = arith.index_cast %get3A_884 : i32 to index
    %get3A_886 = arith.constant 80 : index
    %get3A_887 = tpu.vector_load %arg8[%get3A_885, %get3A_886] {strides = array<i32>} : memref<4x128xi32, #tpu.memory_space<vmem>>, vector<1x16xi32>,
    %get3A_888 = vector.shape_cast %get3A_887 : vector<1x16xi32> to vector<16xi32>
    %get3A_889 = arith.constant 2 : i32
    %get3A_890 = arith.index_cast %get3A_889 : i32 to index
    %get3A_891 = arith.constant 80 : index
    %get3A_892 = tpu.vector_load %arg9[%get3A_890, %get3A_891] {strides = array<i32>} : memref<4x128xi32, #tpu.memory_space<vmem>>, vector<1x16xi32>,
    %get3A_893 = vector.shape_cast %get3A_892 : vector<1x16xi32> to vector<16xi32>
    %shift_right_logical3A_894 = arith.constant 13 : i32
    %shift_right_logical3A_895 = vector.broadcast %shift_right_logical3A_894 : i32 to vector<16xi32>
    %shift_right_logical3A_896 = arith.shrui %get3A_888, %shift_right_logical3A_895 : vector<16xi32>
    %shift_left3A_897 = arith.constant 11 : i32
    %shift_left3A_898 = vector.broadcast %shift_left3A_897 : i32 to vector<16xi32>
    %shift_left3A_899 = arith.shli %shift_right_logical3A_896, %shift_left3A_898 : vector<16xi32>
    %and3A_900 = arith.constant 2047 : i32
    %and3A_901 = vector.broadcast %and3A_900 : i32 to vector<16xi32>
    %and3A_902 = arith.andi %get3A_888, %and3A_901 : vector<16xi32>
    %add3A_903 = arith.addi %shift_left3A_899, %and3A_902 : vector<16xi32>
    %swap3A_904 = arith.constant 2 : i32
    %swap3A_905 = arith.index_cast %swap3A_904 : i32 to index
    %swap3A_906 = arith.constant 80 : index
    %swap3A_907 = tpu.vector_load %arg10[%swap3A_905, %swap3A_906] {strides = array<i32>} : memref<4x128xi32, #tpu.memory_space<vmem>>, vector<1x16xi32>,
    %swap3A_908 = vector.shape_cast %swap3A_907 : vector<1x16xi32> to vector<16xi32>
    %swap3A_909 = vector.shape_cast %add3A_903 : vector<16xi32> to vector<1x16xi32>
    tpu.vector_store %arg10[%swap3A_905, %swap3A_906], %swap3A_909 {strides = array<i32>} : memref<4x128xi32, #tpu.memory_space<vmem>>, vector<1x16xi32>,
    %shift_right_logical3A_910 = arith.constant 13 : i32
    %shift_right_logical3A_911 = vector.broadcast %shift_right_logical3A_910 : i32 to vector<16xi32>
    %shift_right_logical3A_912 = arith.shrui %get3A_893, %shift_right_logical3A_911 : vector<16xi32>
    %shift_left3A_913 = arith.constant 11 : i32
    %shift_left3A_914 = vector.broadcast %shift_left3A_913 : i32 to vector<16xi32>
    %shift_left3A_915 = arith.shli %shift_right_logical3A_912, %shift_left3A_914 : vector<16xi32>
    %and3A_916 = arith.constant 2047 : i32
    %and3A_917 = vector.broadcast %and3A_916 : i32 to vector<16xi32>
    %and3A_918 = arith.andi %get3A_893, %and3A_917 : vector<16xi32>
    %add3A_919 = arith.addi %shift_left3A_915, %and3A_918 : vector<16xi32>
    %swap3A_920 = arith.constant 2 : i32
    %swap3A_921 = arith.index_cast %swap3A_920 : i32 to index
    %swap3A_922 = arith.constant 80 : index
    %swap3A_923 = tpu.vector_load %arg11[%swap3A_921, %swap3A_922] {strides = array<i32>} : memref<4x128xi32, #tpu.memory_space<vmem>>, vector<1x16xi32>,
    %swap3A_924 = vector.shape_cast %swap3A_923 : vector<1x16xi32> to vector<16xi32>
    %swap3A_925 = vector.shape_cast %add3A_919 : vector<16xi32> to vector<1x16xi32>
    tpu.vector_store %arg11[%swap3A_921, %swap3A_922], %swap3A_925 {strides = array<i32>} : memref<4x128xi32, #tpu.memory_space<vmem>>, vector<1x16xi32>,
    %get3A_926 = arith.constant 2 : i32
    %get3A_927 = arith.index_cast %get3A_926 : i32 to index
    %get3A_928 = arith.constant 96 : index
    %get3A_929 = tpu.vector_load %arg8[%get3A_927, %get3A_928] {strides = array<i32>} : memref<4x128xi32, #tpu.memory_space<vmem>>, vector<1x16xi32>,
    %get3A_930 = vector.shape_cast %get3A_929 : vector<1x16xi32> to vector<16xi32>
    %get3A_931 = arith.constant 2 : i32
    %get3A_932 = arith.index_cast %get3A_931 : i32 to index
    %get3A_933 = arith.constant 96 : index
    %get3A_934 = tpu.vector_load %arg9[%get3A_932, %get3A_933] {strides = array<i32>} : memref<4x128xi32, #tpu.memory_space<vmem>>, vector<1x16xi32>,
    %get3A_935 = vector.shape_cast %get3A_934 : vector<1x16xi32> to vector<16xi32>
    %shift_right_logical3A_936 = arith.constant 13 : i32
    %shift_right_logical3A_937 = vector.broadcast %shift_right_logical3A_936 : i32 to vector<16xi32>
    %shift_right_logical3A_938 = arith.shrui %get3A_930, %shift_right_logical3A_937 : vector<16xi32>
    %shift_left3A_939 = arith.constant 11 : i32
    %shift_left3A_940 = vector.broadcast %shift_left3A_939 : i32 to vector<16xi32>
    %shift_left3A_941 = arith.shli %shift_right_logical3A_938, %shift_left3A_940 : vector<16xi32>
    %and3A_942 = arith.constant 2047 : i32
    %and3A_943 = vector.broadcast %and3A_942 : i32 to vector<16xi32>
    %and3A_944 = arith.andi %get3A_930, %and3A_943 : vector<16xi32>
    %add3A_945 = arith.addi %shift_left3A_941, %and3A_944 : vector<16xi32>
    %swap3A_946 = arith.constant 2 : i32
    %swap3A_947 = arith.index_cast %swap3A_946 : i32 to index
    %swap3A_948 = arith.constant 96 : index
    %swap3A_949 = tpu.vector_load %arg10[%swap3A_947, %swap3A_948] {strides = array<i32>} : memref<4x128xi32, #tpu.memory_space<vmem>>, vector<1x16xi32>,
    %swap3A_950 = vector.shape_cast %swap3A_949 : vector<1x16xi32> to vector<16xi32>
    %swap3A_951 = vector.shape_cast %add3A_945 : vector<16xi32> to vector<1x16xi32>
    tpu.vector_store %arg10[%swap3A_947, %swap3A_948], %swap3A_951 {strides = array<i32>} : memref<4x128xi32, #tpu.memory_space<vmem>>, vector<1x16xi32>,
    %shift_right_logical3A_952 = arith.constant 13 : i32
    %shift_right_logical3A_953 = vector.broadcast %shift_right_logical3A_952 : i32 to vector<16xi32>
    %shift_right_logical3A_954 = arith.shrui %get3A_935, %shift_right_logical3A_953 : vector<16xi32>
    %shift_left3A_955 = arith.constant 11 : i32
    %shift_left3A_956 = vector.broadcast %shift_left3A_955 : i32 to vector<16xi32>
    %shift_left3A_957 = arith.shli %shift_right_logical3A_954, %shift_left3A_956 : vector<16xi32>
    %and3A_958 = arith.constant 2047 : i32
    %and3A_959 = vector.broadcast %and3A_958 : i32 to vector<16xi32>
    %and3A_960 = arith.andi %get3A_935, %and3A_959 : vector<16xi32>
    %add3A_961 = arith.addi %shift_left3A_957, %and3A_960 : vector<16xi32>
    %swap3A_962 = arith.constant 2 : i32
    %swap3A_963 = arith.index_cast %swap3A_962 : i32 to index
    %swap3A_964 = arith.constant 96 : index
    %swap3A_965 = tpu.vector_load %arg11[%swap3A_963, %swap3A_964] {strides = array<i32>} : memref<4x128xi32, #tpu.memory_space<vmem>>, vector<1x16xi32>,
    %swap3A_966 = vector.shape_cast %swap3A_965 : vector<1x16xi32> to vector<16xi32>
    %swap3A_967 = vector.shape_cast %add3A_961 : vector<16xi32> to vector<1x16xi32>
    tpu.vector_store %arg11[%swap3A_963, %swap3A_964], %swap3A_967 {strides = array<i32>} : memref<4x128xi32, #tpu.memory_space<vmem>>, vector<1x16xi32>,
    %get3A_968 = arith.constant 2 : i32
    %get3A_969 = arith.index_cast %get3A_968 : i32 to index
    %get3A_970 = arith.constant 112 : index
    %get3A_971 = tpu.vector_load %arg8[%get3A_969, %get3A_970] {strides = array<i32>} : memref<4x128xi32, #tpu.memory_space<vmem>>, vector<1x16xi32>,
    %get3A_972 = vector.shape_cast %get3A_971 : vector<1x16xi32> to vector<16xi32>
    %get3A_973 = arith.constant 2 : i32
    %get3A_974 = arith.index_cast %get3A_973 : i32 to index
    %get3A_975 = arith.constant 112 : index
    %get3A_976 = tpu.vector_load %arg9[%get3A_974, %get3A_975] {strides = array<i32>} : memref<4x128xi32, #tpu.memory_space<vmem>>, vector<1x16xi32>,
    %get3A_977 = vector.shape_cast %get3A_976 : vector<1x16xi32> to vector<16xi32>
    %shift_right_logical3A_978 = arith.constant 13 : i32
    %shift_right_logical3A_979 = vector.broadcast %shift_right_logical3A_978 : i32 to vector<16xi32>
    %shift_right_logical3A_980 = arith.shrui %get3A_972, %shift_right_logical3A_979 : vector<16xi32>
    %shift_left3A_981 = arith.constant 11 : i32
    %shift_left3A_982 = vector.broadcast %shift_left3A_981 : i32 to vector<16xi32>
    %shift_left3A_983 = arith.shli %shift_right_logical3A_980, %shift_left3A_982 : vector<16xi32>
    %and3A_984 = arith.constant 2047 : i32
    %and3A_985 = vector.broadcast %and3A_984 : i32 to vector<16xi32>
    %and3A_986 = arith.andi %get3A_972, %and3A_985 : vector<16xi32>
    %add3A_987 = arith.addi %shift_left3A_983, %and3A_986 : vector<16xi32>
    %swap3A_988 = arith.constant 2 : i32
    %swap3A_989 = arith.index_cast %swap3A_988 : i32 to index
    %swap3A_990 = arith.constant 112 : index
    %swap3A_991 = tpu.vector_load %arg10[%swap3A_989, %swap3A_990] {strides = array<i32>} : memref<4x128xi32, #tpu.memory_space<vmem>>, vector<1x16xi32>,
    %swap3A_992 = vector.shape_cast %swap3A_991 : vector<1x16xi32> to vector<16xi32>
    %swap3A_993 = vector.shape_cast %add3A_987 : vector<16xi32> to vector<1x16xi32>
    tpu.vector_store %arg10[%swap3A_989, %swap3A_990], %swap3A_993 {strides = array<i32>} : memref<4x128xi32, #tpu.memory_space<vmem>>, vector<1x16xi32>,
    %shift_right_logical3A_994 = arith.constant 13 : i32
    %shift_right_logical3A_995 = vector.broadcast %shift_right_logical3A_994 : i32 to vector<16xi32>
    %shift_right_logical3A_996 = arith.shrui %get3A_977, %shift_right_logical3A_995 : vector<16xi32>
    %shift_left3A_997 = arith.constant 11 : i32
    %shift_left3A_998 = vector.broadcast %shift_left3A_997 : i32 to vector<16xi32>
    %shift_left3A_999 = arith.shli %shift_right_logical3A_996, %shift_left3A_998 : vector<16xi32>
    %and3A_1000 = arith.constant 2047 : i32
    %and3A_1001 = vector.broadcast %and3A_1000 : i32 to vector<16xi32>
    %and3A_1002 = arith.andi %get3A_977, %and3A_1001 : vector<16xi32>
    %add3A_1003 = arith.addi %shift_left3A_999, %and3A_1002 : vector<16xi32>
    %swap3A_1004 = arith.constant 2 : i32
    %swap3A_1005 = arith.index_cast %swap3A_1004 : i32 to index
    %swap3A_1006 = arith.constant 112 : index
    %swap3A_1007 = tpu.vector_load %arg11[%swap3A_1005, %swap3A_1006] {strides = array<i32>} : memref<4x128xi32, #tpu.memory_space<vmem>>, vector<1x16xi32>,
    %swap3A_1008 = vector.shape_cast %swap3A_1007 : vector<1x16xi32> to vector<16xi32>
    %swap3A_1009 = vector.shape_cast %add3A_1003 : vector<16xi32> to vector<1x16xi32>
    tpu.vector_store %arg11[%swap3A_1005, %swap3A_1006], %swap3A_1009 {strides = array<i32>} : memref<4x128xi32, #tpu.memory_space<vmem>>, vector<1x16xi32>,
    %get3A_1010 = arith.constant 3 : i32
    %get3A_1011 = arith.index_cast %get3A_1010 : i32 to index
    %get3A_1012 = arith.constant 0 : index
    %get3A_1013 = tpu.vector_load %arg8[%get3A_1011, %get3A_1012] {strides = array<i32>} : memref<4x128xi32, #tpu.memory_space<vmem>>, vector<1x16xi32>,
    %get3A_1014 = vector.shape_cast %get3A_1013 : vector<1x16xi32> to vector<16xi32>
    %get3A_1015 = arith.constant 3 : i32
    %get3A_1016 = arith.index_cast %get3A_1015 : i32 to index
    %get3A_1017 = arith.constant 0 : index
    %get3A_1018 = tpu.vector_load %arg9[%get3A_1016, %get3A_1017] {strides = array<i32>} : memref<4x128xi32, #tpu.memory_space<vmem>>, vector<1x16xi32>,
    %get3A_1019 = vector.shape_cast %get3A_1018 : vector<1x16xi32> to vector<16xi32>
    %shift_right_logical3A_1020 = arith.constant 13 : i32
    %shift_right_logical3A_1021 = vector.broadcast %shift_right_logical3A_1020 : i32 to vector<16xi32>
    %shift_right_logical3A_1022 = arith.shrui %get3A_1014, %shift_right_logical3A_1021 : vector<16xi32>
    %shift_left3A_1023 = arith.constant 11 : i32
    %shift_left3A_1024 = vector.broadcast %shift_left3A_1023 : i32 to vector<16xi32>
    %shift_left3A_1025 = arith.shli %shift_right_logical3A_1022, %shift_left3A_1024 : vector<16xi32>
    %and3A_1026 = arith.constant 2047 : i32
    %and3A_1027 = vector.broadcast %and3A_1026 : i32 to vector<16xi32>
    %and3A_1028 = arith.andi %get3A_1014, %and3A_1027 : vector<16xi32>
    %add3A_1029 = arith.addi %shift_left3A_1025, %and3A_1028 : vector<16xi32>
    %swap3A_1030 = arith.constant 3 : i32
    %swap3A_1031 = arith.index_cast %swap3A_1030 : i32 to index
    %swap3A_1032 = arith.constant 0 : index
    %swap3A_1033 = tpu.vector_load %arg10[%swap3A_1031, %swap3A_1032] {strides = array<i32>} : memref<4x128xi32, #tpu.memory_space<vmem>>, vector<1x16xi32>,
    %swap3A_1034 = vector.shape_cast %swap3A_1033 : vector<1x16xi32> to vector<16xi32>
    %swap3A_1035 = vector.shape_cast %add3A_1029 : vector<16xi32> to vector<1x16xi32>
    tpu.vector_store %arg10[%swap3A_1031, %swap3A_1032], %swap3A_1035 {strides = array<i32>} : memref<4x128xi32, #tpu.memory_space<vmem>>, vector<1x16xi32>,
    %shift_right_logical3A_1036 = arith.constant 13 : i32
    %shift_right_logical3A_1037 = vector.broadcast %shift_right_logical3A_1036 : i32 to vector<16xi32>
    %shift_right_logical3A_1038 = arith.shrui %get3A_1019, %shift_right_logical3A_1037 : vector<16xi32>
    %shift_left3A_1039 = arith.constant 11 : i32
    %shift_left3A_1040 = vector.broadcast %shift_left3A_1039 : i32 to vector<16xi32>
    %shift_left3A_1041 = arith.shli %shift_right_logical3A_1038, %shift_left3A_1040 : vector<16xi32>
    %and3A_1042 = arith.constant 2047 : i32
    %and3A_1043 = vector.broadcast %and3A_1042 : i32 to vector<16xi32>
    %and3A_1044 = arith.andi %get3A_1019, %and3A_1043 : vector<16xi32>
    %add3A_1045 = arith.addi %shift_left3A_1041, %and3A_1044 : vector<16xi32>
    %swap3A_1046 = arith.constant 3 : i32
    %swap3A_1047 = arith.index_cast %swap3A_1046 : i32 to index
    %swap3A_1048 = arith.constant 0 : index
    %swap3A_1049 = tpu.vector_load %arg11[%swap3A_1047, %swap3A_1048] {strides = array<i32>} : memref<4x128xi32, #tpu.memory_space<vmem>>, vector<1x16xi32>,
    %swap3A_1050 = vector.shape_cast %swap3A_1049 : vector<1x16xi32> to vector<16xi32>
    %swap3A_1051 = vector.shape_cast %add3A_1045 : vector<16xi32> to vector<1x16xi32>
    tpu.vector_store %arg11[%swap3A_1047, %swap3A_1048], %swap3A_1051 {strides = array<i32>} : memref<4x128xi32, #tpu.memory_space<vmem>>, vector<1x16xi32>,
    %get3A_1052 = arith.constant 3 : i32
    %get3A_1053 = arith.index_cast %get3A_1052 : i32 to index
    %get3A_1054 = arith.constant 16 : index
    %get3A_1055 = tpu.vector_load %arg8[%get3A_1053, %get3A_1054] {strides = array<i32>} : memref<4x128xi32, #tpu.memory_space<vmem>>, vector<1x16xi32>,
    %get3A_1056 = vector.shape_cast %get3A_1055 : vector<1x16xi32> to vector<16xi32>
    %get3A_1057 = arith.constant 3 : i32
    %get3A_1058 = arith.index_cast %get3A_1057 : i32 to index
    %get3A_1059 = arith.constant 16 : index
    %get3A_1060 = tpu.vector_load %arg9[%get3A_1058, %get3A_1059] {strides = array<i32>} : memref<4x128xi32, #tpu.memory_space<vmem>>, vector<1x16xi32>,
    %get3A_1061 = vector.shape_cast %get3A_1060 : vector<1x16xi32> to vector<16xi32>
    %shift_right_logical3A_1062 = arith.constant 13 : i32
    %shift_right_logical3A_1063 = vector.broadcast %shift_right_logical3A_1062 : i32 to vector<16xi32>
    %shift_right_logical3A_1064 = arith.shrui %get3A_1056, %shift_right_logical3A_1063 : vector<16xi32>
    %shift_left3A_1065 = arith.constant 11 : i32
    %shift_left3A_1066 = vector.broadcast %shift_left3A_1065 : i32 to vector<16xi32>
    %shift_left3A_1067 = arith.shli %shift_right_logical3A_1064, %shift_left3A_1066 : vector<16xi32>
    %and3A_1068 = arith.constant 2047 : i32
    %and3A_1069 = vector.broadcast %and3A_1068 : i32 to vector<16xi32>
    %and3A_1070 = arith.andi %get3A_1056, %and3A_1069 : vector<16xi32>
    %add3A_1071 = arith.addi %shift_left3A_1067, %and3A_1070 : vector<16xi32>
    %swap3A_1072 = arith.constant 3 : i32
    %swap3A_1073 = arith.index_cast %swap3A_1072 : i32 to index
    %swap3A_1074 = arith.constant 16 : index
    %swap3A_1075 = tpu.vector_load %arg10[%swap3A_1073, %swap3A_1074] {strides = array<i32>} : memref<4x128xi32, #tpu.memory_space<vmem>>, vector<1x16xi32>,
    %swap3A_1076 = vector.shape_cast %swap3A_1075 : vector<1x16xi32> to vector<16xi32>
    %swap3A_1077 = vector.shape_cast %add3A_1071 : vector<16xi32> to vector<1x16xi32>
    tpu.vector_store %arg10[%swap3A_1073, %swap3A_1074], %swap3A_1077 {strides = array<i32>} : memref<4x128xi32, #tpu.memory_space<vmem>>, vector<1x16xi32>,
    %shift_right_logical3A_1078 = arith.constant 13 : i32
    %shift_right_logical3A_1079 = vector.broadcast %shift_right_logical3A_1078 : i32 to vector<16xi32>
    %shift_right_logical3A_1080 = arith.shrui %get3A_1061, %shift_right_logical3A_1079 : vector<16xi32>
    %shift_left3A_1081 = arith.constant 11 : i32
    %shift_left3A_1082 = vector.broadcast %shift_left3A_1081 : i32 to vector<16xi32>
    %shift_left3A_1083 = arith.shli %shift_right_logical3A_1080, %shift_left3A_1082 : vector<16xi32>
    %and3A_1084 = arith.constant 2047 : i32
    %and3A_1085 = vector.broadcast %and3A_1084 : i32 to vector<16xi32>
    %and3A_1086 = arith.andi %get3A_1061, %and3A_1085 : vector<16xi32>
    %add3A_1087 = arith.addi %shift_left3A_1083, %and3A_1086 : vector<16xi32>
    %swap3A_1088 = arith.constant 3 : i32
    %swap3A_1089 = arith.index_cast %swap3A_1088 : i32 to index
    %swap3A_1090 = arith.constant 16 : index
    %swap3A_1091 = tpu.vector_load %arg11[%swap3A_1089, %swap3A_1090] {strides = array<i32>} : memref<4x128xi32, #tpu.memory_space<vmem>>, vector<1x16xi32>,
    %swap3A_1092 = vector.shape_cast %swap3A_1091 : vector<1x16xi32> to vector<16xi32>
    %swap3A_1093 = vector.shape_cast %add3A_1087 : vector<16xi32> to vector<1x16xi32>
    tpu.vector_store %arg11[%swap3A_1089, %swap3A_1090], %swap3A_1093 {strides = array<i32>} : memref<4x128xi32, #tpu.memory_space<vmem>>, vector<1x16xi32>,
    %get3A_1094 = arith.constant 3 : i32
    %get3A_1095 = arith.index_cast %get3A_1094 : i32 to index
    %get3A_1096 = arith.constant 32 : index
    %get3A_1097 = tpu.vector_load %arg8[%get3A_1095, %get3A_1096] {strides = array<i32>} : memref<4x128xi32, #tpu.memory_space<vmem>>, vector<1x16xi32>,
    %get3A_1098 = vector.shape_cast %get3A_1097 : vector<1x16xi32> to vector<16xi32>
    %get3A_1099 = arith.constant 3 : i32
    %get3A_1100 = arith.index_cast %get3A_1099 : i32 to index
    %get3A_1101 = arith.constant 32 : index
    %get3A_1102 = tpu.vector_load %arg9[%get3A_1100, %get3A_1101] {strides = array<i32>} : memref<4x128xi32, #tpu.memory_space<vmem>>, vector<1x16xi32>,
    %get3A_1103 = vector.shape_cast %get3A_1102 : vector<1x16xi32> to vector<16xi32>
    %shift_right_logical3A_1104 = arith.constant 13 : i32
    %shift_right_logical3A_1105 = vector.broadcast %shift_right_logical3A_1104 : i32 to vector<16xi32>
    %shift_right_logical3A_1106 = arith.shrui %get3A_1098, %shift_right_logical3A_1105 : vector<16xi32>
    %shift_left3A_1107 = arith.constant 11 : i32
    %shift_left3A_1108 = vector.broadcast %shift_left3A_1107 : i32 to vector<16xi32>
    %shift_left3A_1109 = arith.shli %shift_right_logical3A_1106, %shift_left3A_1108 : vector<16xi32>
    %and3A_1110 = arith.constant 2047 : i32
    %and3A_1111 = vector.broadcast %and3A_1110 : i32 to vector<16xi32>
    %and3A_1112 = arith.andi %get3A_1098, %and3A_1111 : vector<16xi32>
    %add3A_1113 = arith.addi %shift_left3A_1109, %and3A_1112 : vector<16xi32>
    %swap3A_1114 = arith.constant 3 : i32
    %swap3A_1115 = arith.index_cast %swap3A_1114 : i32 to index
    %swap3A_1116 = arith.constant 32 : index
    %swap3A_1117 = tpu.vector_load %arg10[%swap3A_1115, %swap3A_1116] {strides = array<i32>} : memref<4x128xi32, #tpu.memory_space<vmem>>, vector<1x16xi32>,
    %swap3A_1118 = vector.shape_cast %swap3A_1117 : vector<1x16xi32> to vector<16xi32>
    %swap3A_1119 = vector.shape_cast %add3A_1113 : vector<16xi32> to vector<1x16xi32>
    tpu.vector_store %arg10[%swap3A_1115, %swap3A_1116], %swap3A_1119 {strides = array<i32>} : memref<4x128xi32, #tpu.memory_space<vmem>>, vector<1x16xi32>,
    %shift_right_logical3A_1120 = arith.constant 13 : i32
    %shift_right_logical3A_1121 = vector.broadcast %shift_right_logical3A_1120 : i32 to vector<16xi32>
    %shift_right_logical3A_1122 = arith.shrui %get3A_1103, %shift_right_logical3A_1121 : vector<16xi32>
    %shift_left3A_1123 = arith.constant 11 : i32
    %shift_left3A_1124 = vector.broadcast %shift_left3A_1123 : i32 to vector<16xi32>
    %shift_left3A_1125 = arith.shli %shift_right_logical3A_1122, %shift_left3A_1124 : vector<16xi32>
    %and3A_1126 = arith.constant 2047 : i32
    %and3A_1127 = vector.broadcast %and3A_1126 : i32 to vector<16xi32>
    %and3A_1128 = arith.andi %get3A_1103, %and3A_1127 : vector<16xi32>
    %add3A_1129 = arith.addi %shift_left3A_1125, %and3A_1128 : vector<16xi32>
    %swap3A_1130 = arith.constant 3 : i32
    %swap3A_1131 = arith.index_cast %swap3A_1130 : i32 to index
    %swap3A_1132 = arith.constant 32 : index
    %swap3A_1133 = tpu.vector_load %arg11[%swap3A_1131, %swap3A_1132] {strides = array<i32>} : memref<4x128xi32, #tpu.memory_space<vmem>>, vector<1x16xi32>,
    %swap3A_1134 = vector.shape_cast %swap3A_1133 : vector<1x16xi32> to vector<16xi32>
    %swap3A_1135 = vector.shape_cast %add3A_1129 : vector<16xi32> to vector<1x16xi32>
    tpu.vector_store %arg11[%swap3A_1131, %swap3A_1132], %swap3A_1135 {strides = array<i32>} : memref<4x128xi32, #tpu.memory_space<vmem>>, vector<1x16xi32>,
    %get3A_1136 = arith.constant 3 : i32
    %get3A_1137 = arith.index_cast %get3A_1136 : i32 to index
    %get3A_1138 = arith.constant 48 : index
    %get3A_1139 = tpu.vector_load %arg8[%get3A_1137, %get3A_1138] {strides = array<i32>} : memref<4x128xi32, #tpu.memory_space<vmem>>, vector<1x16xi32>,
    %get3A_1140 = vector.shape_cast %get3A_1139 : vector<1x16xi32> to vector<16xi32>
    %get3A_1141 = arith.constant 3 : i32
    %get3A_1142 = arith.index_cast %get3A_1141 : i32 to index
    %get3A_1143 = arith.constant 48 : index
    %get3A_1144 = tpu.vector_load %arg9[%get3A_1142, %get3A_1143] {strides = array<i32>} : memref<4x128xi32, #tpu.memory_space<vmem>>, vector<1x16xi32>,
    %get3A_1145 = vector.shape_cast %get3A_1144 : vector<1x16xi32> to vector<16xi32>
    %shift_right_logical3A_1146 = arith.constant 13 : i32
    %shift_right_logical3A_1147 = vector.broadcast %shift_right_logical3A_1146 : i32 to vector<16xi32>
    %shift_right_logical3A_1148 = arith.shrui %get3A_1140, %shift_right_logical3A_1147 : vector<16xi32>
    %shift_left3A_1149 = arith.constant 11 : i32
    %shift_left3A_1150 = vector.broadcast %shift_left3A_1149 : i32 to vector<16xi32>
    %shift_left3A_1151 = arith.shli %shift_right_logical3A_1148, %shift_left3A_1150 : vector<16xi32>
    %and3A_1152 = arith.constant 2047 : i32
    %and3A_1153 = vector.broadcast %and3A_1152 : i32 to vector<16xi32>
    %and3A_1154 = arith.andi %get3A_1140, %and3A_1153 : vector<16xi32>
    %add3A_1155 = arith.addi %shift_left3A_1151, %and3A_1154 : vector<16xi32>
    %swap3A_1156 = arith.constant 3 : i32
    %swap3A_1157 = arith.index_cast %swap3A_1156 : i32 to index
    %swap3A_1158 = arith.constant 48 : index
    %swap3A_1159 = tpu.vector_load %arg10[%swap3A_1157, %swap3A_1158] {strides = array<i32>} : memref<4x128xi32, #tpu.memory_space<vmem>>, vector<1x16xi32>,
    %swap3A_1160 = vector.shape_cast %swap3A_1159 : vector<1x16xi32> to vector<16xi32>
    %swap3A_1161 = vector.shape_cast %add3A_1155 : vector<16xi32> to vector<1x16xi32>
    tpu.vector_store %arg10[%swap3A_1157, %swap3A_1158], %swap3A_1161 {strides = array<i32>} : memref<4x128xi32, #tpu.memory_space<vmem>>, vector<1x16xi32>,
    %shift_right_logical3A_1162 = arith.constant 13 : i32
    %shift_right_logical3A_1163 = vector.broadcast %shift_right_logical3A_1162 : i32 to vector<16xi32>
    %shift_right_logical3A_1164 = arith.shrui %get3A_1145, %shift_right_logical3A_1163 : vector<16xi32>
    %shift_left3A_1165 = arith.constant 11 : i32
    %shift_left3A_1166 = vector.broadcast %shift_left3A_1165 : i32 to vector<16xi32>
    %shift_left3A_1167 = arith.shli %shift_right_logical3A_1164, %shift_left3A_1166 : vector<16xi32>
    %and3A_1168 = arith.constant 2047 : i32
    %and3A_1169 = vector.broadcast %and3A_1168 : i32 to vector<16xi32>
    %and3A_1170 = arith.andi %get3A_1145, %and3A_1169 : vector<16xi32>
    %add3A_1171 = arith.addi %shift_left3A_1167, %and3A_1170 : vector<16xi32>
    %swap3A_1172 = arith.constant 3 : i32
    %swap3A_1173 = arith.index_cast %swap3A_1172 : i32 to index
    %swap3A_1174 = arith.constant 48 : index
    %swap3A_1175 = tpu.vector_load %arg11[%swap3A_1173, %swap3A_1174] {strides = array<i32>} : memref<4x128xi32, #tpu.memory_space<vmem>>, vector<1x16xi32>,
    %swap3A_1176 = vector.shape_cast %swap3A_1175 : vector<1x16xi32> to vector<16xi32>
    %swap3A_1177 = vector.shape_cast %add3A_1171 : vector<16xi32> to vector<1x16xi32>
    tpu.vector_store %arg11[%swap3A_1173, %swap3A_1174], %swap3A_1177 {strides = array<i32>} : memref<4x128xi32, #tpu.memory_space<vmem>>, vector<1x16xi32>,
    %get3A_1178 = arith.constant 3 : i32
    %get3A_1179 = arith.index_cast %get3A_1178 : i32 to index
    %get3A_1180 = arith.constant 64 : index
    %get3A_1181 = tpu.vector_load %arg8[%get3A_1179, %get3A_1180] {strides = array<i32>} : memref<4x128xi32, #tpu.memory_space<vmem>>, vector<1x16xi32>,
    %get3A_1182 = vector.shape_cast %get3A_1181 : vector<1x16xi32> to vector<16xi32>
    %get3A_1183 = arith.constant 3 : i32
    %get3A_1184 = arith.index_cast %get3A_1183 : i32 to index
    %get3A_1185 = arith.constant 64 : index
    %get3A_1186 = tpu.vector_load %arg9[%get3A_1184, %get3A_1185] {strides = array<i32>} : memref<4x128xi32, #tpu.memory_space<vmem>>, vector<1x16xi32>,
    %get3A_1187 = vector.shape_cast %get3A_1186 : vector<1x16xi32> to vector<16xi32>
    %shift_right_logical3A_1188 = arith.constant 13 : i32
    %shift_right_logical3A_1189 = vector.broadcast %shift_right_logical3A_1188 : i32 to vector<16xi32>
    %shift_right_logical3A_1190 = arith.shrui %get3A_1182, %shift_right_logical3A_1189 : vector<16xi32>
    %shift_left3A_1191 = arith.constant 11 : i32
    %shift_left3A_1192 = vector.broadcast %shift_left3A_1191 : i32 to vector<16xi32>
    %shift_left3A_1193 = arith.shli %shift_right_logical3A_1190, %shift_left3A_1192 : vector<16xi32>
    %and3A_1194 = arith.constant 2047 : i32
    %and3A_1195 = vector.broadcast %and3A_1194 : i32 to vector<16xi32>
    %and3A_1196 = arith.andi %get3A_1182, %and3A_1195 : vector<16xi32>
    %add3A_1197 = arith.addi %shift_left3A_1193, %and3A_1196 : vector<16xi32>
    %swap3A_1198 = arith.constant 3 : i32
    %swap3A_1199 = arith.index_cast %swap3A_1198 : i32 to index
    %swap3A_1200 = arith.constant 64 : index
    %swap3A_1201 = tpu.vector_load %arg10[%swap3A_1199, %swap3A_1200] {strides = array<i32>} : memref<4x128xi32, #tpu.memory_space<vmem>>, vector<1x16xi32>,
    %swap3A_1202 = vector.shape_cast %swap3A_1201 : vector<1x16xi32> to vector<16xi32>
    %swap3A_1203 = vector.shape_cast %add3A_1197 : vector<16xi32> to vector<1x16xi32>
    tpu.vector_store %arg10[%swap3A_1199, %swap3A_1200], %swap3A_1203 {strides = array<i32>} : memref<4x128xi32, #tpu.memory_space<vmem>>, vector<1x16xi32>,
    %shift_right_logical3A_1204 = arith.constant 13 : i32
    %shift_right_logical3A_1205 = vector.broadcast %shift_right_logical3A_1204 : i32 to vector<16xi32>
    %shift_right_logical3A_1206 = arith.shrui %get3A_1187, %shift_right_logical3A_1205 : vector<16xi32>
    %shift_left3A_1207 = arith.constant 11 : i32
    %shift_left3A_1208 = vector.broadcast %shift_left3A_1207 : i32 to vector<16xi32>
    %shift_left3A_1209 = arith.shli %shift_right_logical3A_1206, %shift_left3A_1208 : vector<16xi32>
    %and3A_1210 = arith.constant 2047 : i32
    %and3A_1211 = vector.broadcast %and3A_1210 : i32 to vector<16xi32>
    %and3A_1212 = arith.andi %get3A_1187, %and3A_1211 : vector<16xi32>
    %add3A_1213 = arith.addi %shift_left3A_1209, %and3A_1212 : vector<16xi32>
    %swap3A_1214 = arith.constant 3 : i32
    %swap3A_1215 = arith.index_cast %swap3A_1214 : i32 to index
    %swap3A_1216 = arith.constant 64 : index
    %swap3A_1217 = tpu.vector_load %arg11[%swap3A_1215, %swap3A_1216] {strides = array<i32>} : memref<4x128xi32, #tpu.memory_space<vmem>>, vector<1x16xi32>,
    %swap3A_1218 = vector.shape_cast %swap3A_1217 : vector<1x16xi32> to vector<16xi32>
    %swap3A_1219 = vector.shape_cast %add3A_1213 : vector<16xi32> to vector<1x16xi32>
    tpu.vector_store %arg11[%swap3A_1215, %swap3A_1216], %swap3A_1219 {strides = array<i32>} : memref<4x128xi32, #tpu.memory_space<vmem>>, vector<1x16xi32>,
    %get3A_1220 = arith.constant 3 : i32
    %get3A_1221 = arith.index_cast %get3A_1220 : i32 to index
    %get3A_1222 = arith.constant 80 : index
    %get3A_1223 = tpu.vector_load %arg8[%get3A_1221, %get3A_1222] {strides = array<i32>} : memref<4x128xi32, #tpu.memory_space<vmem>>, vector<1x16xi32>,
    %get3A_1224 = vector.shape_cast %get3A_1223 : vector<1x16xi32> to vector<16xi32>
    %get3A_1225 = arith.constant 3 : i32
    %get3A_1226 = arith.index_cast %get3A_1225 : i32 to index
    %get3A_1227 = arith.constant 80 : index
    %get3A_1228 = tpu.vector_load %arg9[%get3A_1226, %get3A_1227] {strides = array<i32>} : memref<4x128xi32, #tpu.memory_space<vmem>>, vector<1x16xi32>,
    %get3A_1229 = vector.shape_cast %get3A_1228 : vector<1x16xi32> to vector<16xi32>
    %shift_right_logical3A_1230 = arith.constant 13 : i32
    %shift_right_logical3A_1231 = vector.broadcast %shift_right_logical3A_1230 : i32 to vector<16xi32>
    %shift_right_logical3A_1232 = arith.shrui %get3A_1224, %shift_right_logical3A_1231 : vector<16xi32>
    %shift_left3A_1233 = arith.constant 11 : i32
    %shift_left3A_1234 = vector.broadcast %shift_left3A_1233 : i32 to vector<16xi32>
    %shift_left3A_1235 = arith.shli %shift_right_logical3A_1232, %shift_left3A_1234 : vector<16xi32>
    %and3A_1236 = arith.constant 2047 : i32
    %and3A_1237 = vector.broadcast %and3A_1236 : i32 to vector<16xi32>
    %and3A_1238 = arith.andi %get3A_1224, %and3A_1237 : vector<16xi32>
    %add3A_1239 = arith.addi %shift_left3A_1235, %and3A_1238 : vector<16xi32>
    %swap3A_1240 = arith.constant 3 : i32
    %swap3A_1241 = arith.index_cast %swap3A_1240 : i32 to index
    %swap3A_1242 = arith.constant 80 : index
    %swap3A_1243 = tpu.vector_load %arg10[%swap3A_1241, %swap3A_1242] {strides = array<i32>} : memref<4x128xi32, #tpu.memory_space<vmem>>, vector<1x16xi32>,
    %swap3A_1244 = vector.shape_cast %swap3A_1243 : vector<1x16xi32> to vector<16xi32>
    %swap3A_1245 = vector.shape_cast %add3A_1239 : vector<16xi32> to vector<1x16xi32>
    tpu.vector_store %arg10[%swap3A_1241, %swap3A_1242], %swap3A_1245 {strides = array<i32>} : memref<4x128xi32, #tpu.memory_space<vmem>>, vector<1x16xi32>,
    %shift_right_logical3A_1246 = arith.constant 13 : i32
    %shift_right_logical3A_1247 = vector.broadcast %shift_right_logical3A_1246 : i32 to vector<16xi32>
    %shift_right_logical3A_1248 = arith.shrui %get3A_1229, %shift_right_logical3A_1247 : vector<16xi32>
    %shift_left3A_1249 = arith.constant 11 : i32
    %shift_left3A_1250 = vector.broadcast %shift_left3A_1249 : i32 to vector<16xi32>
    %shift_left3A_1251 = arith.shli %shift_right_logical3A_1248, %shift_left3A_1250 : vector<16xi32>
    %and3A_1252 = arith.constant 2047 : i32
    %and3A_1253 = vector.broadcast %and3A_1252 : i32 to vector<16xi32>
    %and3A_1254 = arith.andi %get3A_1229, %and3A_1253 : vector<16xi32>
    %add3A_1255 = arith.addi %shift_left3A_1251, %and3A_1254 : vector<16xi32>
    %swap3A_1256 = arith.constant 3 : i32
    %swap3A_1257 = arith.index_cast %swap3A_1256 : i32 to index
    %swap3A_1258 = arith.constant 80 : index
    %swap3A_1259 = tpu.vector_load %arg11[%swap3A_1257, %swap3A_1258] {strides = array<i32>} : memref<4x128xi32, #tpu.memory_space<vmem>>, vector<1x16xi32>,
    %swap3A_1260 = vector.shape_cast %swap3A_1259 : vector<1x16xi32> to vector<16xi32>
    %swap3A_1261 = vector.shape_cast %add3A_1255 : vector<16xi32> to vector<1x16xi32>
    tpu.vector_store %arg11[%swap3A_1257, %swap3A_1258], %swap3A_1261 {strides = array<i32>} : memref<4x128xi32, #tpu.memory_space<vmem>>, vector<1x16xi32>,
    %get3A_1262 = arith.constant 3 : i32
    %get3A_1263 = arith.index_cast %get3A_1262 : i32 to index
    %get3A_1264 = arith.constant 96 : index
    %get3A_1265 = tpu.vector_load %arg8[%get3A_1263, %get3A_1264] {strides = array<i32>} : memref<4x128xi32, #tpu.memory_space<vmem>>, vector<1x16xi32>,
    %get3A_1266 = vector.shape_cast %get3A_1265 : vector<1x16xi32> to vector<16xi32>
    %get3A_1267 = arith.constant 3 : i32
    %get3A_1268 = arith.index_cast %get3A_1267 : i32 to index
    %get3A_1269 = arith.constant 96 : index
    %get3A_1270 = tpu.vector_load %arg9[%get3A_1268, %get3A_1269] {strides = array<i32>} : memref<4x128xi32, #tpu.memory_space<vmem>>, vector<1x16xi32>,
    %get3A_1271 = vector.shape_cast %get3A_1270 : vector<1x16xi32> to vector<16xi32>
    %shift_right_logical3A_1272 = arith.constant 13 : i32
    %shift_right_logical3A_1273 = vector.broadcast %shift_right_logical3A_1272 : i32 to vector<16xi32>
    %shift_right_logical3A_1274 = arith.shrui %get3A_1266, %shift_right_logical3A_1273 : vector<16xi32>
    %shift_left3A_1275 = arith.constant 11 : i32
    %shift_left3A_1276 = vector.broadcast %shift_left3A_1275 : i32 to vector<16xi32>
    %shift_left3A_1277 = arith.shli %shift_right_logical3A_1274, %shift_left3A_1276 : vector<16xi32>
    %and3A_1278 = arith.constant 2047 : i32
    %and3A_1279 = vector.broadcast %and3A_1278 : i32 to vector<16xi32>
    %and3A_1280 = arith.andi %get3A_1266, %and3A_1279 : vector<16xi32>
    %add3A_1281 = arith.addi %shift_left3A_1277, %and3A_1280 : vector<16xi32>
    %swap3A_1282 = arith.constant 3 : i32
    %swap3A_1283 = arith.index_cast %swap3A_1282 : i32 to index
    %swap3A_1284 = arith.constant 96 : index
    %swap3A_1285 = tpu.vector_load %arg10[%swap3A_1283, %swap3A_1284] {strides = array<i32>} : memref<4x128xi32, #tpu.memory_space<vmem>>, vector<1x16xi32>,
    %swap3A_1286 = vector.shape_cast %swap3A_1285 : vector<1x16xi32> to vector<16xi32>
    %swap3A_1287 = vector.shape_cast %add3A_1281 : vector<16xi32> to vector<1x16xi32>
    tpu.vector_store %arg10[%swap3A_1283, %swap3A_1284], %swap3A_1287 {strides = array<i32>} : memref<4x128xi32, #tpu.memory_space<vmem>>, vector<1x16xi32>,
    %shift_right_logical3A_1288 = arith.constant 13 : i32
    %shift_right_logical3A_1289 = vector.broadcast %shift_right_logical3A_1288 : i32 to vector<16xi32>
    %shift_right_logical3A_1290 = arith.shrui %get3A_1271, %shift_right_logical3A_1289 : vector<16xi32>
    %shift_left3A_1291 = arith.constant 11 : i32
    %shift_left3A_1292 = vector.broadcast %shift_left3A_1291 : i32 to vector<16xi32>
    %shift_left3A_1293 = arith.shli %shift_right_logical3A_1290, %shift_left3A_1292 : vector<16xi32>
    %and3A_1294 = arith.constant 2047 : i32
    %and3A_1295 = vector.broadcast %and3A_1294 : i32 to vector<16xi32>
    %and3A_1296 = arith.andi %get3A_1271, %and3A_1295 : vector<16xi32>
    %add3A_1297 = arith.addi %shift_left3A_1293, %and3A_1296 : vector<16xi32>
    %swap3A_1298 = arith.constant 3 : i32
    %swap3A_1299 = arith.index_cast %swap3A_1298 : i32 to index
    %swap3A_1300 = arith.constant 96 : index
    %swap3A_1301 = tpu.vector_load %arg11[%swap3A_1299, %swap3A_1300] {strides = array<i32>} : memref<4x128xi32, #tpu.memory_space<vmem>>, vector<1x16xi32>,
    %swap3A_1302 = vector.shape_cast %swap3A_1301 : vector<1x16xi32> to vector<16xi32>
    %swap3A_1303 = vector.shape_cast %add3A_1297 : vector<16xi32> to vector<1x16xi32>
    tpu.vector_store %arg11[%swap3A_1299, %swap3A_1300], %swap3A_1303 {strides = array<i32>} : memref<4x128xi32, #tpu.memory_space<vmem>>, vector<1x16xi32>,
    %get3A_1304 = arith.constant 3 : i32
    %get3A_1305 = arith.index_cast %get3A_1304 : i32 to index
    %get3A_1306 = arith.constant 112 : index
    %get3A_1307 = tpu.vector_load %arg8[%get3A_1305, %get3A_1306] {strides = array<i32>} : memref<4x128xi32, #tpu.memory_space<vmem>>, vector<1x16xi32>,
    %get3A_1308 = vector.shape_cast %get3A_1307 : vector<1x16xi32> to vector<16xi32>
    %get3A_1309 = arith.constant 3 : i32
    %get3A_1310 = arith.index_cast %get3A_1309 : i32 to index
    %get3A_1311 = arith.constant 112 : index
    %get3A_1312 = tpu.vector_load %arg9[%get3A_1310, %get3A_1311] {strides = array<i32>} : memref<4x128xi32, #tpu.memory_space<vmem>>, vector<1x16xi32>,
    %get3A_1313 = vector.shape_cast %get3A_1312 : vector<1x16xi32> to vector<16xi32>
    %shift_right_logical3A_1314 = arith.constant 13 : i32
    %shift_right_logical3A_1315 = vector.broadcast %shift_right_logical3A_1314 : i32 to vector<16xi32>
    %shift_right_logical3A_1316 = arith.shrui %get3A_1308, %shift_right_logical3A_1315 : vector<16xi32>
    %shift_left3A_1317 = arith.constant 11 : i32
    %shift_left3A_1318 = vector.broadcast %shift_left3A_1317 : i32 to vector<16xi32>
    %shift_left3A_1319 = arith.shli %shift_right_logical3A_1316, %shift_left3A_1318 : vector<16xi32>
    %and3A_1320 = arith.constant 2047 : i32
    %and3A_1321 = vector.broadcast %and3A_1320 : i32 to vector<16xi32>
    %and3A_1322 = arith.andi %get3A_1308, %and3A_1321 : vector<16xi32>
    %add3A_1323 = arith.addi %shift_left3A_1319, %and3A_1322 : vector<16xi32>
    %swap3A_1324 = arith.constant 3 : i32
    %swap3A_1325 = arith.index_cast %swap3A_1324 : i32 to index
    %swap3A_1326 = arith.constant 112 : index
    %swap3A_1327 = tpu.vector_load %arg10[%swap3A_1325, %swap3A_1326] {strides = array<i32>} : memref<4x128xi32, #tpu.memory_space<vmem>>, vector<1x16xi32>,
    %swap3A_1328 = vector.shape_cast %swap3A_1327 : vector<1x16xi32> to vector<16xi32>
    %swap3A_1329 = vector.shape_cast %add3A_1323 : vector<16xi32> to vector<1x16xi32>
    tpu.vector_store %arg10[%swap3A_1325, %swap3A_1326], %swap3A_1329 {strides = array<i32>} : memref<4x128xi32, #tpu.memory_space<vmem>>, vector<1x16xi32>,
    %shift_right_logical3A_1330 = arith.constant 13 : i32
    %shift_right_logical3A_1331 = vector.broadcast %shift_right_logical3A_1330 : i32 to vector<16xi32>
    %shift_right_logical3A_1332 = arith.shrui %get3A_1313, %shift_right_logical3A_1331 : vector<16xi32>
    %shift_left3A_1333 = arith.constant 11 : i32
    %shift_left3A_1334 = vector.broadcast %shift_left3A_1333 : i32 to vector<16xi32>
    %shift_left3A_1335 = arith.shli %shift_right_logical3A_1332, %shift_left3A_1334 : vector<16xi32>
    %and3A_1336 = arith.constant 2047 : i32
    %and3A_1337 = vector.broadcast %and3A_1336 : i32 to vector<16xi32>
    %and3A_1338 = arith.andi %get3A_1313, %and3A_1337 : vector<16xi32>
    %add3A_1339 = arith.addi %shift_left3A_1335, %and3A_1338 : vector<16xi32>
    %swap3A_1340 = arith.constant 3 : i32
    %swap3A_1341 = arith.index_cast %swap3A_1340 : i32 to index
    %swap3A_1342 = arith.constant 112 : index
    %swap3A_1343 = tpu.vector_load %arg11[%swap3A_1341, %swap3A_1342] {strides = array<i32>} : memref<4x128xi32, #tpu.memory_space<vmem>>, vector<1x16xi32>,
    %swap3A_1344 = vector.shape_cast %swap3A_1343 : vector<1x16xi32> to vector<16xi32>
    %swap3A_1345 = vector.shape_cast %add3A_1339 : vector<16xi32> to vector<1x16xi32>
    tpu.vector_store %arg11[%swap3A_1341, %swap3A_1342], %swap3A_1345 {strides = array<i32>} : memref<4x128xi32, #tpu.memory_space<vmem>>, vector<1x16xi32>,
    %dma_start3A = arith.constant 0 : i32
    %dma_start3A_1346 = arith.constant 0 : i32
    %dma_start3A_1347 = tpu.memref_slice %arg10[%dma_start3A, %dma_start3A_1346] : memref<4x128xi32, #tpu.memory_space<vmem>> -> memref<1x128xi32, #tpu.memory_space<vmem>>
    %dma_start3A_1348 = tpu.memref_squeeze %dma_start3A_1347 : memref<1x128xi32, #tpu.memory_space<vmem>> -> memref<128xi32, #tpu.memory_space<vmem>>
    %dma_start3A_1349 = arith.constant 0 : i32
    %dma_start3A_1350 = arith.constant 0 : i32
    %dma_start3A_1351 = tpu.memref_slice %arg4[%dma_start3A_1349, %dma_start3A_1350] : memref<251904x128xf32, #tpu.memory_space<hbm>> -> memref<251904x128xf32, #tpu.memory_space<hbm>>
    tpu.enqueue_indirect_dma source(%dma_start3A_1351 : memref<251904x128xf32, #tpu.memory_space<hbm>>) target(%arg12 : memref<128x128xf32, #tpu.memory_space<vmem>>) offsets(%dma_start3A_1348 : memref<128xi32, #tpu.memory_space<vmem>>) semaphore(%arg14 : memref<!tpu.dma_semaphore, #tpu.memory_space<semaphore_mem>>)
    %dma_start3A_1352 = arith.constant 0 : i32
    %dma_start3A_1353 = arith.constant 0 : i32
    %dma_start3A_1354 = tpu.memref_slice %arg11[%dma_start3A_1352, %dma_start3A_1353] : memref<4x128xi32, #tpu.memory_space<vmem>> -> memref<1x128xi32, #tpu.memory_space<vmem>>
    %dma_start3A_1355 = tpu.memref_squeeze %dma_start3A_1354 : memref<1x128xi32, #tpu.memory_space<vmem>> -> memref<128xi32, #tpu.memory_space<vmem>>
    %dma_start3A_1356 = arith.constant 0 : i32
    %dma_start3A_1357 = arith.constant 0 : i32
    %dma_start3A_1358 = tpu.memref_slice %arg5[%dma_start3A_1356, %dma_start3A_1357] : memref<26624x128xf32, #tpu.memory_space<hbm>> -> memref<26624x128xf32, #tpu.memory_space<hbm>>
    tpu.enqueue_indirect_dma source(%dma_start3A_1358 : memref<26624x128xf32, #tpu.memory_space<hbm>>) target(%arg13 : memref<128x128xf32, #tpu.memory_space<vmem>>) offsets(%dma_start3A_1355 : memref<128xi32, #tpu.memory_space<vmem>>) semaphore(%arg15 : memref<!tpu.dma_semaphore, #tpu.memory_space<semaphore_mem>>)
    %dma_wait3A = arith.constant 0 : i32
    %dma_wait3A_1359 = arith.constant 0 : i32
    %dma_wait3A_1360 = tpu.memref_slice %arg10[%dma_wait3A, %dma_wait3A_1359] : memref<4x128xi32, #tpu.memory_space<vmem>> -> memref<1x128xi32, #tpu.memory_space<vmem>>
    %dma_wait3A_1361 = tpu.memref_squeeze %dma_wait3A_1360 : memref<1x128xi32, #tpu.memory_space<vmem>> -> memref<128xi32, #tpu.memory_space<vmem>>
    %dma_wait3A_1362 = arith.constant 0 : i32
    %dma_wait3A_1363 = arith.constant 0 : i32
    %dma_wait3A_1364 = tpu.memref_slice %arg4[%dma_wait3A_1362, %dma_wait3A_1363] : memref<251904x128xf32, #tpu.memory_space<hbm>> -> memref<251904x128xf32, #tpu.memory_space<hbm>>
    tpu.wait_indirect_dma semaphore(%arg14 : memref<!tpu.dma_semaphore, #tpu.memory_space<semaphore_mem>>) src(%dma_wait3A_1364 : memref<251904x128xf32, #tpu.memory_space<hbm>>) dst(%arg12 : memref<128x128xf32, #tpu.memory_space<vmem>>)
    %add3A_1365 = arith.constant 0 : i32
    %add3A_1366 = arith.addi %mul3A_2, %add3A_1365 : i32
    "tpu.region"() ({
      %run_scoped3A = tpu.sem_alloc : memref<!tpu.dma_semaphore, #tpu.memory_space<semaphore_mem>>
      %dma_start3A_1472 = arith.constant 0 : i32
      %dma_start3A_1473 = tpu.memref_slice %arg6[%add3A_1366, %dma_start3A_1472] : memref<16384x128xf32, #tpu.memory_space<hbm>> -> memref<128x128xf32, #tpu.memory_space<hbm>>
      %dma_start3A_1474 = arith.constant 0 : i32
      %dma_start3A_1475 = tpu.memref_slice %arg6[%add3A_1366, %dma_start3A_1474] : memref<16384x128xf32, #tpu.memory_space<hbm>> -> memref<128x128xf32, #tpu.memory_space<hbm>>
      tpu.enqueue_dma source(%arg12 : memref<128x128xf32, #tpu.memory_space<vmem>>) target(%dma_start3A_1475 : memref<128x128xf32, #tpu.memory_space<hbm>>) target_semaphore(%run_scoped3A : memref<!tpu.dma_semaphore, #tpu.memory_space<semaphore_mem>>)
      %dma_wait3A_1476 = arith.constant 0 : i32
      %dma_wait3A_1477 = tpu.memref_slice %arg6[%add3A_1366, %dma_wait3A_1476] : memref<16384x128xf32, #tpu.memory_space<hbm>> -> memref<128x128xf32, #tpu.memory_space<hbm>>
      %dma_wait3A_1478 = arith.constant 0 : i32
      %dma_wait3A_1479 = tpu.memref_slice %arg6[%add3A_1366, %dma_wait3A_1478] : memref<16384x128xf32, #tpu.memory_space<hbm>> -> memref<128x128xf32, #tpu.memory_space<hbm>>
      tpu.wait_dma2 semaphore(%run_scoped3A : memref<!tpu.dma_semaphore, #tpu.memory_space<semaphore_mem>>) src(%arg12 : memref<128x128xf32, #tpu.memory_space<vmem>>) dst(%dma_wait3A_1479 : memref<128x128xf32, #tpu.memory_space<hbm>>)
      tpu.yield
    }) : () -> ()
    %dma_wait3A_1367 = arith.constant 0 : i32
    %dma_wait3A_1368 = arith.constant 0 : i32
    %dma_wait3A_1369 = tpu.memref_slice %arg11[%dma_wait3A_1367, %dma_wait3A_1368] : memref<4x128xi32, #tpu.memory_space<vmem>> -> memref<1x128xi32, #tpu.memory_space<vmem>>
    %dma_wait3A_1370 = tpu.memref_squeeze %dma_wait3A_1369 : memref<1x128xi32, #tpu.memory_space<vmem>> -> memref<128xi32, #tpu.memory_space<vmem>>
    %dma_wait3A_1371 = arith.constant 0 : i32
    %dma_wait3A_1372 = arith.constant 0 : i32
    %dma_wait3A_1373 = tpu.memref_slice %arg5[%dma_wait3A_1371, %dma_wait3A_1372] : memref<26624x128xf32, #tpu.memory_space<hbm>> -> memref<26624x128xf32, #tpu.memory_space<hbm>>
    tpu.wait_indirect_dma semaphore(%arg15 : memref<!tpu.dma_semaphore, #tpu.memory_space<semaphore_mem>>) src(%dma_wait3A_1373 : memref<26624x128xf32, #tpu.memory_space<hbm>>) dst(%arg13 : memref<128x128xf32, #tpu.memory_space<vmem>>)
    %add3A_1374 = arith.constant 0 : i32
    %add3A_1375 = arith.addi %mul3A_2, %add3A_1374 : i32
    "tpu.region"() ({
      %run_scoped3A = tpu.sem_alloc : memref<!tpu.dma_semaphore, #tpu.memory_space<semaphore_mem>>
      %dma_start3A_1472 = arith.constant 0 : i32
      %dma_start3A_1473 = tpu.memref_slice %arg7[%add3A_1375, %dma_start3A_1472] : memref<16384x128xf32, #tpu.memory_space<hbm>> -> memref<128x128xf32, #tpu.memory_space<hbm>>
      %dma_start3A_1474 = arith.constant 0 : i32
      %dma_start3A_1475 = tpu.memref_slice %arg7[%add3A_1375, %dma_start3A_1474] : memref<16384x128xf32, #tpu.memory_space<hbm>> -> memref<128x128xf32, #tpu.memory_space<hbm>>
      tpu.enqueue_dma source(%arg13 : memref<128x128xf32, #tpu.memory_space<vmem>>) target(%dma_start3A_1475 : memref<128x128xf32, #tpu.memory_space<hbm>>) target_semaphore(%run_scoped3A : memref<!tpu.dma_semaphore, #tpu.memory_space<semaphore_mem>>)
      %dma_wait3A_1476 = arith.constant 0 : i32
      %dma_wait3A_1477 = tpu.memref_slice %arg7[%add3A_1375, %dma_wait3A_1476] : memref<16384x128xf32, #tpu.memory_space<hbm>> -> memref<128x128xf32, #tpu.memory_space<hbm>>
      %dma_wait3A_1478 = arith.constant 0 : i32
      %dma_wait3A_1479 = tpu.memref_slice %arg7[%add3A_1375, %dma_wait3A_1478] : memref<16384x128xf32, #tpu.memory_space<hbm>> -> memref<128x128xf32, #tpu.memory_space<hbm>>
      tpu.wait_dma2 semaphore(%run_scoped3A : memref<!tpu.dma_semaphore, #tpu.memory_space<semaphore_mem>>) src(%arg13 : memref<128x128xf32, #tpu.memory_space<vmem>>) dst(%dma_wait3A_1479 : memref<128x128xf32, #tpu.memory_space<hbm>>)
      tpu.yield
    }) : () -> ()
    %dma_start3A_1376 = arith.constant 1 : i32
    %dma_start3A_1377 = arith.constant 0 : i32
    %dma_start3A_1378 = tpu.memref_slice %arg10[%dma_start3A_1376, %dma_start3A_1377] : memref<4x128xi32, #tpu.memory_space<vmem>> -> memref<1x128xi32, #tpu.memory_space<vmem>>
    %dma_start3A_1379 = tpu.memref_squeeze %dma_start3A_1378 : memref<1x128xi32, #tpu.memory_space<vmem>> -> memref<128xi32, #tpu.memory_space<vmem>>
    %dma_start3A_1380 = arith.constant 0 : i32
    %dma_start3A_1381 = arith.constant 0 : i32
    %dma_start3A_1382 = tpu.memref_slice %arg4[%dma_start3A_1380, %dma_start3A_1381] : memref<251904x128xf32, #tpu.memory_space<hbm>> -> memref<251904x128xf32, #tpu.memory_space<hbm>>
    tpu.enqueue_indirect_dma source(%dma_start3A_1382 : memref<251904x128xf32, #tpu.memory_space<hbm>>) target(%arg12 : memref<128x128xf32, #tpu.memory_space<vmem>>) offsets(%dma_start3A_1379 : memref<128xi32, #tpu.memory_space<vmem>>) semaphore(%arg14 : memref<!tpu.dma_semaphore, #tpu.memory_space<semaphore_mem>>)
    %dma_start3A_1383 = arith.constant 1 : i32
    %dma_start3A_1384 = arith.constant 0 : i32
    %dma_start3A_1385 = tpu.memref_slice %arg11[%dma_start3A_1383, %dma_start3A_1384] : memref<4x128xi32, #tpu.memory_space<vmem>> -> memref<1x128xi32, #tpu.memory_space<vmem>>
    %dma_start3A_1386 = tpu.memref_squeeze %dma_start3A_1385 : memref<1x128xi32, #tpu.memory_space<vmem>> -> memref<128xi32, #tpu.memory_space<vmem>>
    %dma_start3A_1387 = arith.constant 0 : i32
    %dma_start3A_1388 = arith.constant 0 : i32
    %dma_start3A_1389 = tpu.memref_slice %arg5[%dma_start3A_1387, %dma_start3A_1388] : memref<26624x128xf32, #tpu.memory_space<hbm>> -> memref<26624x128xf32, #tpu.memory_space<hbm>>
    tpu.enqueue_indirect_dma source(%dma_start3A_1389 : memref<26624x128xf32, #tpu.memory_space<hbm>>) target(%arg13 : memref<128x128xf32, #tpu.memory_space<vmem>>) offsets(%dma_start3A_1386 : memref<128xi32, #tpu.memory_space<vmem>>) semaphore(%arg15 : memref<!tpu.dma_semaphore, #tpu.memory_space<semaphore_mem>>)
    %dma_wait3A_1390 = arith.constant 1 : i32
    %dma_wait3A_1391 = arith.constant 0 : i32
    %dma_wait3A_1392 = tpu.memref_slice %arg10[%dma_wait3A_1390, %dma_wait3A_1391] : memref<4x128xi32, #tpu.memory_space<vmem>> -> memref<1x128xi32, #tpu.memory_space<vmem>>
    %dma_wait3A_1393 = tpu.memref_squeeze %dma_wait3A_1392 : memref<1x128xi32, #tpu.memory_space<vmem>> -> memref<128xi32, #tpu.memory_space<vmem>>
    %dma_wait3A_1394 = arith.constant 0 : i32
    %dma_wait3A_1395 = arith.constant 0 : i32
    %dma_wait3A_1396 = tpu.memref_slice %arg4[%dma_wait3A_1394, %dma_wait3A_1395] : memref<251904x128xf32, #tpu.memory_space<hbm>> -> memref<251904x128xf32, #tpu.memory_space<hbm>>
    tpu.wait_indirect_dma semaphore(%arg14 : memref<!tpu.dma_semaphore, #tpu.memory_space<semaphore_mem>>) src(%dma_wait3A_1396 : memref<251904x128xf32, #tpu.memory_space<hbm>>) dst(%arg12 : memref<128x128xf32, #tpu.memory_space<vmem>>)
    %add3A_1397 = arith.constant 128 : i32
    %add3A_1398 = arith.addi %mul3A_2, %add3A_1397 : i32
    "tpu.region"() ({
      %run_scoped3A = tpu.sem_alloc : memref<!tpu.dma_semaphore, #tpu.memory_space<semaphore_mem>>
      %dma_start3A_1472 = arith.constant 0 : i32
      %dma_start3A_1473 = tpu.memref_slice %arg6[%add3A_1398, %dma_start3A_1472] : memref<16384x128xf32, #tpu.memory_space<hbm>> -> memref<128x128xf32, #tpu.memory_space<hbm>>
      %dma_start3A_1474 = arith.constant 0 : i32
      %dma_start3A_1475 = tpu.memref_slice %arg6[%add3A_1398, %dma_start3A_1474] : memref<16384x128xf32, #tpu.memory_space<hbm>> -> memref<128x128xf32, #tpu.memory_space<hbm>>
      tpu.enqueue_dma source(%arg12 : memref<128x128xf32, #tpu.memory_space<vmem>>) target(%dma_start3A_1475 : memref<128x128xf32, #tpu.memory_space<hbm>>) target_semaphore(%run_scoped3A : memref<!tpu.dma_semaphore, #tpu.memory_space<semaphore_mem>>)
      %dma_wait3A_1476 = arith.constant 0 : i32
      %dma_wait3A_1477 = tpu.memref_slice %arg6[%add3A_1398, %dma_wait3A_1476] : memref<16384x128xf32, #tpu.memory_space<hbm>> -> memref<128x128xf32, #tpu.memory_space<hbm>>
      %dma_wait3A_1478 = arith.constant 0 : i32
      %dma_wait3A_1479 = tpu.memref_slice %arg6[%add3A_1398, %dma_wait3A_1478] : memref<16384x128xf32, #tpu.memory_space<hbm>> -> memref<128x128xf32, #tpu.memory_space<hbm>>
      tpu.wait_dma2 semaphore(%run_scoped3A : memref<!tpu.dma_semaphore, #tpu.memory_space<semaphore_mem>>) src(%arg12 : memref<128x128xf32, #tpu.memory_space<vmem>>) dst(%dma_wait3A_1479 : memref<128x128xf32, #tpu.memory_space<hbm>>)
      tpu.yield
    }) : () -> ()
    %dma_wait3A_1399 = arith.constant 1 : i32
    %dma_wait3A_1400 = arith.constant 0 : i32
    %dma_wait3A_1401 = tpu.memref_slice %arg11[%dma_wait3A_1399, %dma_wait3A_1400] : memref<4x128xi32, #tpu.memory_space<vmem>> -> memref<1x128xi32, #tpu.memory_space<vmem>>
    %dma_wait3A_1402 = tpu.memref_squeeze %dma_wait3A_1401 : memref<1x128xi32, #tpu.memory_space<vmem>> -> memref<128xi32, #tpu.memory_space<vmem>>
    %dma_wait3A_1403 = arith.constant 0 : i32
    %dma_wait3A_1404 = arith.constant 0 : i32
    %dma_wait3A_1405 = tpu.memref_slice %arg5[%dma_wait3A_1403, %dma_wait3A_1404] : memref<26624x128xf32, #tpu.memory_space<hbm>> -> memref<26624x128xf32, #tpu.memory_space<hbm>>
    tpu.wait_indirect_dma semaphore(%arg15 : memref<!tpu.dma_semaphore, #tpu.memory_space<semaphore_mem>>) src(%dma_wait3A_1405 : memref<26624x128xf32, #tpu.memory_space<hbm>>) dst(%arg13 : memref<128x128xf32, #tpu.memory_space<vmem>>)
    %add3A_1406 = arith.constant 128 : i32
    %add3A_1407 = arith.addi %mul3A_2, %add3A_1406 : i32
    "tpu.region"() ({
      %run_scoped3A = tpu.sem_alloc : memref<!tpu.dma_semaphore, #tpu.memory_space<semaphore_mem>>
      %dma_start3A_1472 = arith.constant 0 : i32
      %dma_start3A_1473 = tpu.memref_slice %arg7[%add3A_1407, %dma_start3A_1472] : memref<16384x128xf32, #tpu.memory_space<hbm>> -> memref<128x128xf32, #tpu.memory_space<hbm>>
      %dma_start3A_1474 = arith.constant 0 : i32
      %dma_start3A_1475 = tpu.memref_slice %arg7[%add3A_1407, %dma_start3A_1474] : memref<16384x128xf32, #tpu.memory_space<hbm>> -> memref<128x128xf32, #tpu.memory_space<hbm>>
      tpu.enqueue_dma source(%arg13 : memref<128x128xf32, #tpu.memory_space<vmem>>) target(%dma_start3A_1475 : memref<128x128xf32, #tpu.memory_space<hbm>>) target_semaphore(%run_scoped3A : memref<!tpu.dma_semaphore, #tpu.memory_space<semaphore_mem>>)
      %dma_wait3A_1476 = arith.constant 0 : i32
      %dma_wait3A_1477 = tpu.memref_slice %arg7[%add3A_1407, %dma_wait3A_1476] : memref<16384x128xf32, #tpu.memory_space<hbm>> -> memref<128x128xf32, #tpu.memory_space<hbm>>
      %dma_wait3A_1478 = arith.constant 0 : i32
      %dma_wait3A_1479 = tpu.memref_slice %arg7[%add3A_1407, %dma_wait3A_1478] : memref<16384x128xf32, #tpu.memory_space<hbm>> -> memref<128x128xf32, #tpu.memory_space<hbm>>
      tpu.wait_dma2 semaphore(%run_scoped3A : memref<!tpu.dma_semaphore, #tpu.memory_space<semaphore_mem>>) src(%arg13 : memref<128x128xf32, #tpu.memory_space<vmem>>) dst(%dma_wait3A_1479 : memref<128x128xf32, #tpu.memory_space<hbm>>)
      tpu.yield
    }) : () -> ()
    %dma_start3A_1408 = arith.constant 2 : i32
    %dma_start3A_1409 = arith.constant 0 : i32
    %dma_start3A_1410 = tpu.memref_slice %arg10[%dma_start3A_1408, %dma_start3A_1409] : memref<4x128xi32, #tpu.memory_space<vmem>> -> memref<1x128xi32, #tpu.memory_space<vmem>>
    %dma_start3A_1411 = tpu.memref_squeeze %dma_start3A_1410 : memref<1x128xi32, #tpu.memory_space<vmem>> -> memref<128xi32, #tpu.memory_space<vmem>>
    %dma_start3A_1412 = arith.constant 0 : i32
    %dma_start3A_1413 = arith.constant 0 : i32
    %dma_start3A_1414 = tpu.memref_slice %arg4[%dma_start3A_1412, %dma_start3A_1413] : memref<251904x128xf32, #tpu.memory_space<hbm>> -> memref<251904x128xf32, #tpu.memory_space<hbm>>
    tpu.enqueue_indirect_dma source(%dma_start3A_1414 : memref<251904x128xf32, #tpu.memory_space<hbm>>) target(%arg12 : memref<128x128xf32, #tpu.memory_space<vmem>>) offsets(%dma_start3A_1411 : memref<128xi32, #tpu.memory_space<vmem>>) semaphore(%arg14 : memref<!tpu.dma_semaphore, #tpu.memory_space<semaphore_mem>>)
    %dma_start3A_1415 = arith.constant 2 : i32
    %dma_start3A_1416 = arith.constant 0 : i32
    %dma_start3A_1417 = tpu.memref_slice %arg11[%dma_start3A_1415, %dma_start3A_1416] : memref<4x128xi32, #tpu.memory_space<vmem>> -> memref<1x128xi32, #tpu.memory_space<vmem>>
    %dma_start3A_1418 = tpu.memref_squeeze %dma_start3A_1417 : memref<1x128xi32, #tpu.memory_space<vmem>> -> memref<128xi32, #tpu.memory_space<vmem>>
    %dma_start3A_1419 = arith.constant 0 : i32
    %dma_start3A_1420 = arith.constant 0 : i32
    %dma_start3A_1421 = tpu.memref_slice %arg5[%dma_start3A_1419, %dma_start3A_1420] : memref<26624x128xf32, #tpu.memory_space<hbm>> -> memref<26624x128xf32, #tpu.memory_space<hbm>>
    tpu.enqueue_indirect_dma source(%dma_start3A_1421 : memref<26624x128xf32, #tpu.memory_space<hbm>>) target(%arg13 : memref<128x128xf32, #tpu.memory_space<vmem>>) offsets(%dma_start3A_1418 : memref<128xi32, #tpu.memory_space<vmem>>) semaphore(%arg15 : memref<!tpu.dma_semaphore, #tpu.memory_space<semaphore_mem>>)
    %dma_wait3A_1422 = arith.constant 2 : i32
    %dma_wait3A_1423 = arith.constant 0 : i32
    %dma_wait3A_1424 = tpu.memref_slice %arg10[%dma_wait3A_1422, %dma_wait3A_1423] : memref<4x128xi32, #tpu.memory_space<vmem>> -> memref<1x128xi32, #tpu.memory_space<vmem>>
    %dma_wait3A_1425 = tpu.memref_squeeze %dma_wait3A_1424 : memref<1x128xi32, #tpu.memory_space<vmem>> -> memref<128xi32, #tpu.memory_space<vmem>>
    %dma_wait3A_1426 = arith.constant 0 : i32
    %dma_wait3A_1427 = arith.constant 0 : i32
    %dma_wait3A_1428 = tpu.memref_slice %arg4[%dma_wait3A_1426, %dma_wait3A_1427] : memref<251904x128xf32, #tpu.memory_space<hbm>> -> memref<251904x128xf32, #tpu.memory_space<hbm>>
    tpu.wait_indirect_dma semaphore(%arg14 : memref<!tpu.dma_semaphore, #tpu.memory_space<semaphore_mem>>) src(%dma_wait3A_1428 : memref<251904x128xf32, #tpu.memory_space<hbm>>) dst(%arg12 : memref<128x128xf32, #tpu.memory_space<vmem>>)
    %add3A_1429 = arith.constant 256 : i32
    %add3A_1430 = arith.addi %mul3A_2, %add3A_1429 : i32
    "tpu.region"() ({
      %run_scoped3A = tpu.sem_alloc : memref<!tpu.dma_semaphore, #tpu.memory_space<semaphore_mem>>
      %dma_start3A_1472 = arith.constant 0 : i32
      %dma_start3A_1473 = tpu.memref_slice %arg6[%add3A_1430, %dma_start3A_1472] : memref<16384x128xf32, #tpu.memory_space<hbm>> -> memref<128x128xf32, #tpu.memory_space<hbm>>
      %dma_start3A_1474 = arith.constant 0 : i32
      %dma_start3A_1475 = tpu.memref_slice %arg6[%add3A_1430, %dma_start3A_1474] : memref<16384x128xf32, #tpu.memory_space<hbm>> -> memref<128x128xf32, #tpu.memory_space<hbm>>
      tpu.enqueue_dma source(%arg12 : memref<128x128xf32, #tpu.memory_space<vmem>>) target(%dma_start3A_1475 : memref<128x128xf32, #tpu.memory_space<hbm>>) target_semaphore(%run_scoped3A : memref<!tpu.dma_semaphore, #tpu.memory_space<semaphore_mem>>)
      %dma_wait3A_1476 = arith.constant 0 : i32
      %dma_wait3A_1477 = tpu.memref_slice %arg6[%add3A_1430, %dma_wait3A_1476] : memref<16384x128xf32, #tpu.memory_space<hbm>> -> memref<128x128xf32, #tpu.memory_space<hbm>>
      %dma_wait3A_1478 = arith.constant 0 : i32
      %dma_wait3A_1479 = tpu.memref_slice %arg6[%add3A_1430, %dma_wait3A_1478] : memref<16384x128xf32, #tpu.memory_space<hbm>> -> memref<128x128xf32, #tpu.memory_space<hbm>>
      tpu.wait_dma2 semaphore(%run_scoped3A : memref<!tpu.dma_semaphore, #tpu.memory_space<semaphore_mem>>) src(%arg12 : memref<128x128xf32, #tpu.memory_space<vmem>>) dst(%dma_wait3A_1479 : memref<128x128xf32, #tpu.memory_space<hbm>>)
      tpu.yield
    }) : () -> ()
    %dma_wait3A_1431 = arith.constant 2 : i32
    %dma_wait3A_1432 = arith.constant 0 : i32
    %dma_wait3A_1433 = tpu.memref_slice %arg11[%dma_wait3A_1431, %dma_wait3A_1432] : memref<4x128xi32, #tpu.memory_space<vmem>> -> memref<1x128xi32, #tpu.memory_space<vmem>>
    %dma_wait3A_1434 = tpu.memref_squeeze %dma_wait3A_1433 : memref<1x128xi32, #tpu.memory_space<vmem>> -> memref<128xi32, #tpu.memory_space<vmem>>
    %dma_wait3A_1435 = arith.constant 0 : i32
    %dma_wait3A_1436 = arith.constant 0 : i32
    %dma_wait3A_1437 = tpu.memref_slice %arg5[%dma_wait3A_1435, %dma_wait3A_1436] : memref<26624x128xf32, #tpu.memory_space<hbm>> -> memref<26624x128xf32, #tpu.memory_space<hbm>>
    tpu.wait_indirect_dma semaphore(%arg15 : memref<!tpu.dma_semaphore, #tpu.memory_space<semaphore_mem>>) src(%dma_wait3A_1437 : memref<26624x128xf32, #tpu.memory_space<hbm>>) dst(%arg13 : memref<128x128xf32, #tpu.memory_space<vmem>>)
    %add3A_1438 = arith.constant 256 : i32
    %add3A_1439 = arith.addi %mul3A_2, %add3A_1438 : i32
    "tpu.region"() ({
      %run_scoped3A = tpu.sem_alloc : memref<!tpu.dma_semaphore, #tpu.memory_space<semaphore_mem>>
      %dma_start3A_1472 = arith.constant 0 : i32
      %dma_start3A_1473 = tpu.memref_slice %arg7[%add3A_1439, %dma_start3A_1472] : memref<16384x128xf32, #tpu.memory_space<hbm>> -> memref<128x128xf32, #tpu.memory_space<hbm>>
      %dma_start3A_1474 = arith.constant 0 : i32
      %dma_start3A_1475 = tpu.memref_slice %arg7[%add3A_1439, %dma_start3A_1474] : memref<16384x128xf32, #tpu.memory_space<hbm>> -> memref<128x128xf32, #tpu.memory_space<hbm>>
      tpu.enqueue_dma source(%arg13 : memref<128x128xf32, #tpu.memory_space<vmem>>) target(%dma_start3A_1475 : memref<128x128xf32, #tpu.memory_space<hbm>>) target_semaphore(%run_scoped3A : memref<!tpu.dma_semaphore, #tpu.memory_space<semaphore_mem>>)
      %dma_wait3A_1476 = arith.constant 0 : i32
      %dma_wait3A_1477 = tpu.memref_slice %arg7[%add3A_1439, %dma_wait3A_1476] : memref<16384x128xf32, #tpu.memory_space<hbm>> -> memref<128x128xf32, #tpu.memory_space<hbm>>
      %dma_wait3A_1478 = arith.constant 0 : i32
      %dma_wait3A_1479 = tpu.memref_slice %arg7[%add3A_1439, %dma_wait3A_1478] : memref<16384x128xf32, #tpu.memory_space<hbm>> -> memref<128x128xf32, #tpu.memory_space<hbm>>
      tpu.wait_dma2 semaphore(%run_scoped3A : memref<!tpu.dma_semaphore, #tpu.memory_space<semaphore_mem>>) src(%arg13 : memref<128x128xf32, #tpu.memory_space<vmem>>) dst(%dma_wait3A_1479 : memref<128x128xf32, #tpu.memory_space<hbm>>)
      tpu.yield
    }) : () -> ()
    %dma_start3A_1440 = arith.constant 3 : i32
    %dma_start3A_1441 = arith.constant 0 : i32
    %dma_start3A_1442 = tpu.memref_slice %arg10[%dma_start3A_1440, %dma_start3A_1441] : memref<4x128xi32, #tpu.memory_space<vmem>> -> memref<1x128xi32, #tpu.memory_space<vmem>>
    %dma_start3A_1443 = tpu.memref_squeeze %dma_start3A_1442 : memref<1x128xi32, #tpu.memory_space<vmem>> -> memref<128xi32, #tpu.memory_space<vmem>>
    %dma_start3A_1444 = arith.constant 0 : i32
    %dma_start3A_1445 = arith.constant 0 : i32
    %dma_start3A_1446 = tpu.memref_slice %arg4[%dma_start3A_1444, %dma_start3A_1445] : memref<251904x128xf32, #tpu.memory_space<hbm>> -> memref<251904x128xf32, #tpu.memory_space<hbm>>
    tpu.enqueue_indirect_dma source(%dma_start3A_1446 : memref<251904x128xf32, #tpu.memory_space<hbm>>) target(%arg12 : memref<128x128xf32, #tpu.memory_space<vmem>>) offsets(%dma_start3A_1443 : memref<128xi32, #tpu.memory_space<vmem>>) semaphore(%arg14 : memref<!tpu.dma_semaphore, #tpu.memory_space<semaphore_mem>>)
    %dma_start3A_1447 = arith.constant 3 : i32
    %dma_start3A_1448 = arith.constant 0 : i32
    %dma_start3A_1449 = tpu.memref_slice %arg11[%dma_start3A_1447, %dma_start3A_1448] : memref<4x128xi32, #tpu.memory_space<vmem>> -> memref<1x128xi32, #tpu.memory_space<vmem>>
    %dma_start3A_1450 = tpu.memref_squeeze %dma_start3A_1449 : memref<1x128xi32, #tpu.memory_space<vmem>> -> memref<128xi32, #tpu.memory_space<vmem>>
    %dma_start3A_1451 = arith.constant 0 : i32
    %dma_start3A_1452 = arith.constant 0 : i32
    %dma_start3A_1453 = tpu.memref_slice %arg5[%dma_start3A_1451, %dma_start3A_1452] : memref<26624x128xf32, #tpu.memory_space<hbm>> -> memref<26624x128xf32, #tpu.memory_space<hbm>>
    tpu.enqueue_indirect_dma source(%dma_start3A_1453 : memref<26624x128xf32, #tpu.memory_space<hbm>>) target(%arg13 : memref<128x128xf32, #tpu.memory_space<vmem>>) offsets(%dma_start3A_1450 : memref<128xi32, #tpu.memory_space<vmem>>) semaphore(%arg15 : memref<!tpu.dma_semaphore, #tpu.memory_space<semaphore_mem>>)
    %dma_wait3A_1454 = arith.constant 3 : i32
    %dma_wait3A_1455 = arith.constant 0 : i32
    %dma_wait3A_1456 = tpu.memref_slice %arg10[%dma_wait3A_1454, %dma_wait3A_1455] : memref<4x128xi32, #tpu.memory_space<vmem>> -> memref<1x128xi32, #tpu.memory_space<vmem>>
    %dma_wait3A_1457 = tpu.memref_squeeze %dma_wait3A_1456 : memref<1x128xi32, #tpu.memory_space<vmem>> -> memref<128xi32, #tpu.memory_space<vmem>>
    %dma_wait3A_1458 = arith.constant 0 : i32
    %dma_wait3A_1459 = arith.constant 0 : i32
    %dma_wait3A_1460 = tpu.memref_slice %arg4[%dma_wait3A_1458, %dma_wait3A_1459] : memref<251904x128xf32, #tpu.memory_space<hbm>> -> memref<251904x128xf32, #tpu.memory_space<hbm>>
    tpu.wait_indirect_dma semaphore(%arg14 : memref<!tpu.dma_semaphore, #tpu.memory_space<semaphore_mem>>) src(%dma_wait3A_1460 : memref<251904x128xf32, #tpu.memory_space<hbm>>) dst(%arg12 : memref<128x128xf32, #tpu.memory_space<vmem>>)
    %add3A_1461 = arith.constant 384 : i32
    %add3A_1462 = arith.addi %mul3A_2, %add3A_1461 : i32
    "tpu.region"() ({
      %run_scoped3A = tpu.sem_alloc : memref<!tpu.dma_semaphore, #tpu.memory_space<semaphore_mem>>
      %dma_start3A_1472 = arith.constant 0 : i32
      %dma_start3A_1473 = tpu.memref_slice %arg6[%add3A_1462, %dma_start3A_1472] : memref<16384x128xf32, #tpu.memory_space<hbm>> -> memref<128x128xf32, #tpu.memory_space<hbm>>
      %dma_start3A_1474 = arith.constant 0 : i32
      %dma_start3A_1475 = tpu.memref_slice %arg6[%add3A_1462, %dma_start3A_1474] : memref<16384x128xf32, #tpu.memory_space<hbm>> -> memref<128x128xf32, #tpu.memory_space<hbm>>
      tpu.enqueue_dma source(%arg12 : memref<128x128xf32, #tpu.memory_space<vmem>>) target(%dma_start3A_1475 : memref<128x128xf32, #tpu.memory_space<hbm>>) target_semaphore(%run_scoped3A : memref<!tpu.dma_semaphore, #tpu.memory_space<semaphore_mem>>)
      %dma_wait3A_1476 = arith.constant 0 : i32
      %dma_wait3A_1477 = tpu.memref_slice %arg6[%add3A_1462, %dma_wait3A_1476] : memref<16384x128xf32, #tpu.memory_space<hbm>> -> memref<128x128xf32, #tpu.memory_space<hbm>>
      %dma_wait3A_1478 = arith.constant 0 : i32
      %dma_wait3A_1479 = tpu.memref_slice %arg6[%add3A_1462, %dma_wait3A_1478] : memref<16384x128xf32, #tpu.memory_space<hbm>> -> memref<128x128xf32, #tpu.memory_space<hbm>>
      tpu.wait_dma2 semaphore(%run_scoped3A : memref<!tpu.dma_semaphore, #tpu.memory_space<semaphore_mem>>) src(%arg12 : memref<128x128xf32, #tpu.memory_space<vmem>>) dst(%dma_wait3A_1479 : memref<128x128xf32, #tpu.memory_space<hbm>>)
      tpu.yield
    }) : () -> ()
    %dma_wait3A_1463 = arith.constant 3 : i32
    %dma_wait3A_1464 = arith.constant 0 : i32
    %dma_wait3A_1465 = tpu.memref_slice %arg11[%dma_wait3A_1463, %dma_wait3A_1464] : memref<4x128xi32, #tpu.memory_space<vmem>> -> memref<1x128xi32, #tpu.memory_space<vmem>>
    %dma_wait3A_1466 = tpu.memref_squeeze %dma_wait3A_1465 : memref<1x128xi32, #tpu.memory_space<vmem>> -> memref<128xi32, #tpu.memory_space<vmem>>
    %dma_wait3A_1467 = arith.constant 0 : i32
    %dma_wait3A_1468 = arith.constant 0 : i32
    %dma_wait3A_1469 = tpu.memref_slice %arg5[%dma_wait3A_1467, %dma_wait3A_1468] : memref<26624x128xf32, #tpu.memory_space<hbm>> -> memref<26624x128xf32, #tpu.memory_space<hbm>>
    tpu.wait_indirect_dma semaphore(%arg15 : memref<!tpu.dma_semaphore, #tpu.memory_space<semaphore_mem>>) src(%dma_wait3A_1469 : memref<26624x128xf32, #tpu.memory_space<hbm>>) dst(%arg13 : memref<128x128xf32, #tpu.memory_space<vmem>>)
    %add3A_1470 = arith.constant 384 : i32
    %add3A_1471 = arith.addi %mul3A_2, %add3A_1470 : i32
    "tpu.region"() ({
      %run_scoped3A = tpu.sem_alloc : memref<!tpu.dma_semaphore, #tpu.memory_space<semaphore_mem>>
      %dma_start3A_1472 = arith.constant 0 : i32
      %dma_start3A_1473 = tpu.memref_slice %arg7[%add3A_1471, %dma_start3A_1472] : memref<16384x128xf32, #tpu.memory_space<hbm>> -> memref<128x128xf32, #tpu.memory_space<hbm>>
      %dma_start3A_1474 = arith.constant 0 : i32
      %dma_start3A_1475 = tpu.memref_slice %arg7[%add3A_1471, %dma_start3A_1474] : memref<16384x128xf32, #tpu.memory_space<hbm>> -> memref<128x128xf32, #tpu.memory_space<hbm>>
      tpu.enqueue_dma source(%arg13 : memref<128x128xf32, #tpu.memory_space<vmem>>) target(%dma_start3A_1475 : memref<128x128xf32, #tpu.memory_space<hbm>>) target_semaphore(%run_scoped3A : memref<!tpu.dma_semaphore, #tpu.memory_space<semaphore_mem>>)
      %dma_wait3A_1476 = arith.constant 0 : i32
      %dma_wait3A_1477 = tpu.memref_slice %arg7[%add3A_1471, %dma_wait3A_1476] : memref<16384x128xf32, #tpu.memory_space<hbm>> -> memref<128x128xf32, #tpu.memory_space<hbm>>
      %dma_wait3A_1478 = arith.constant 0 : i32
      %dma_wait3A_1479 = tpu.memref_slice %arg7[%add3A_1471, %dma_wait3A_1478] : memref<16384x128xf32, #tpu.memory_space<hbm>> -> memref<128x128xf32, #tpu.memory_space<hbm>>
      tpu.wait_dma2 semaphore(%run_scoped3A : memref<!tpu.dma_semaphore, #tpu.memory_space<semaphore_mem>>) src(%arg13 : memref<128x128xf32, #tpu.memory_space<vmem>>) dst(%dma_wait3A_1479 : memref<128x128xf32, #tpu.memory_space<hbm>>)
      tpu.yield
    }) : () -> ()
    return
  }
}

module attributes {stable_mosaic.version = 14 : i64} {
  func.func @body(%arg0: i32, %arg1: memref<32x8192xf32, #tpu.memory_space<vmem>>, %arg2: memref<2048x128xf32, #tpu.memory_space<vmem>>) attributes {dimension_semantics = [#tpu.dimension_semantics<arbitrary>], iteration_bounds = array<i64: 13>, scalar_prefetch = 0 : i64, scratch_operands = 0 : i64, tpu.core_type = #tpu.core_type<tc>, window_params = [{transform_indices = @transform_0, window_bounds = array<i64: 32, 8192>}, {transform_indices = @transform_1, window_bounds = array<i64: 2048, 128>}]} {
    %get3A = arith.constant 0 : index
    %get3A_0 = arith.constant 0 : index
    %get3A_1 = vector.load %arg1[%get3A, %get3A_0] : memref<32x8192xf32, #tpu.memory_space<vmem>>, vector<32x2048xf32>
    %transpose3A = tpu.transpose %get3A_1, [1, 0] : vector<32x2048xf32> -> vector<2048x32xf32>
    %swap3A = arith.constant 0 : index
    %swap3A_2 = arith.constant 0 : index
    %swap3A_3 = vector.load %arg2[%swap3A, %swap3A_2] : memref<2048x128xf32, #tpu.memory_space<vmem>>, vector<2048x32xf32>
    tpu.vector_store %arg2[%swap3A, %swap3A_2], %transpose3A {strides = array<i32>} : memref<2048x128xf32, #tpu.memory_space<vmem>>, vector<2048x32xf32>,
    %get3A_4 = arith.constant 0 : index
    %get3A_5 = arith.constant 2048 : index
    %get3A_6 = vector.load %arg1[%get3A_4, %get3A_5] : memref<32x8192xf32, #tpu.memory_space<vmem>>, vector<32x2048xf32>
    %transpose3A_7 = tpu.transpose %get3A_6, [1, 0] : vector<32x2048xf32> -> vector<2048x32xf32>
    %swap3A_8 = arith.constant 0 : index
    %swap3A_9 = arith.constant 32 : index
    %swap3A_10 = vector.load %arg2[%swap3A_8, %swap3A_9] : memref<2048x128xf32, #tpu.memory_space<vmem>>, vector<2048x32xf32>
    tpu.vector_store %arg2[%swap3A_8, %swap3A_9], %transpose3A_7 {strides = array<i32>} : memref<2048x128xf32, #tpu.memory_space<vmem>>, vector<2048x32xf32>,
    %get3A_11 = arith.constant 0 : index
    %get3A_12 = arith.constant 4096 : index
    %get3A_13 = vector.load %arg1[%get3A_11, %get3A_12] : memref<32x8192xf32, #tpu.memory_space<vmem>>, vector<32x2048xf32>
    %transpose3A_14 = tpu.transpose %get3A_13, [1, 0] : vector<32x2048xf32> -> vector<2048x32xf32>
    %swap3A_15 = arith.constant 0 : index
    %swap3A_16 = arith.constant 64 : index
    %swap3A_17 = vector.load %arg2[%swap3A_15, %swap3A_16] : memref<2048x128xf32, #tpu.memory_space<vmem>>, vector<2048x32xf32>
    tpu.vector_store %arg2[%swap3A_15, %swap3A_16], %transpose3A_14 {strides = array<i32>} : memref<2048x128xf32, #tpu.memory_space<vmem>>, vector<2048x32xf32>,
    %get3A_18 = arith.constant 0 : index
    %get3A_19 = arith.constant 6144 : index
    %get3A_20 = vector.load %arg1[%get3A_18, %get3A_19] : memref<32x8192xf32, #tpu.memory_space<vmem>>, vector<32x2048xf32>
    %transpose3A_21 = tpu.transpose %get3A_20, [1, 0] : vector<32x2048xf32> -> vector<2048x32xf32>
    %swap3A_22 = arith.constant 0 : index
    %swap3A_23 = arith.constant 96 : index
    %swap3A_24 = vector.load %arg2[%swap3A_22, %swap3A_23] : memref<2048x128xf32, #tpu.memory_space<vmem>>, vector<2048x32xf32>
    tpu.vector_store %arg2[%swap3A_22, %swap3A_23], %transpose3A_21 {strides = array<i32>} : memref<2048x128xf32, #tpu.memory_space<vmem>>, vector<2048x32xf32>,
    return
  }
  func.func @transform_0(%arg0: i32) -> (i32, i32) {
    %c0_i32 = arith.constant 0 : i32
    %c0_i32_0 = arith.constant 0 : i32
    return %c0_i32, %arg0 : i32, i32
  }
  func.func @transform_1(%arg0: i32) -> (i32, i32) {
    %c0_i32 = arith.constant 0 : i32
    %c0_i32_0 = arith.constant 0 : i32
    return %arg0, %c0_i32 : i32, i32
  }
}

module attributes {stable_mosaic.version = 14 : i64} {
  func.func @body(%arg0: i32, %arg1: memref<32x8192xf32, #tpu.memory_space<vmem>>, %arg2: memref<2048x128xf32, #tpu.memory_space<vmem>>) attributes {dimension_semantics = [#tpu.dimension_semantics<arbitrary>], iteration_bounds = array<i64: 123>, scalar_prefetch = 0 : i64, scratch_operands = 0 : i64, tpu.core_type = #tpu.core_type<tc>, window_params = [{transform_indices = @transform_0, window_bounds = array<i64: 32, 8192>}, {transform_indices = @transform_1, window_bounds = array<i64: 2048, 128>}]} {
    %get3A = arith.constant 0 : index
    %get3A_0 = arith.constant 0 : index
    %get3A_1 = vector.load %arg1[%get3A, %get3A_0] : memref<32x8192xf32, #tpu.memory_space<vmem>>, vector<32x2048xf32>
    %transpose3A = tpu.transpose %get3A_1, [1, 0] : vector<32x2048xf32> -> vector<2048x32xf32>
    %swap3A = arith.constant 0 : index
    %swap3A_2 = arith.constant 0 : index
    %swap3A_3 = vector.load %arg2[%swap3A, %swap3A_2] : memref<2048x128xf32, #tpu.memory_space<vmem>>, vector<2048x32xf32>
    tpu.vector_store %arg2[%swap3A, %swap3A_2], %transpose3A {strides = array<i32>} : memref<2048x128xf32, #tpu.memory_space<vmem>>, vector<2048x32xf32>,
    %get3A_4 = arith.constant 0 : index
    %get3A_5 = arith.constant 2048 : index
    %get3A_6 = vector.load %arg1[%get3A_4, %get3A_5] : memref<32x8192xf32, #tpu.memory_space<vmem>>, vector<32x2048xf32>
    %transpose3A_7 = tpu.transpose %get3A_6, [1, 0] : vector<32x2048xf32> -> vector<2048x32xf32>
    %swap3A_8 = arith.constant 0 : index
    %swap3A_9 = arith.constant 32 : index
    %swap3A_10 = vector.load %arg2[%swap3A_8, %swap3A_9] : memref<2048x128xf32, #tpu.memory_space<vmem>>, vector<2048x32xf32>
    tpu.vector_store %arg2[%swap3A_8, %swap3A_9], %transpose3A_7 {strides = array<i32>} : memref<2048x128xf32, #tpu.memory_space<vmem>>, vector<2048x32xf32>,
    %get3A_11 = arith.constant 0 : index
    %get3A_12 = arith.constant 4096 : index
    %get3A_13 = vector.load %arg1[%get3A_11, %get3A_12] : memref<32x8192xf32, #tpu.memory_space<vmem>>, vector<32x2048xf32>
    %transpose3A_14 = tpu.transpose %get3A_13, [1, 0] : vector<32x2048xf32> -> vector<2048x32xf32>
    %swap3A_15 = arith.constant 0 : index
    %swap3A_16 = arith.constant 64 : index
    %swap3A_17 = vector.load %arg2[%swap3A_15, %swap3A_16] : memref<2048x128xf32, #tpu.memory_space<vmem>>, vector<2048x32xf32>
    tpu.vector_store %arg2[%swap3A_15, %swap3A_16], %transpose3A_14 {strides = array<i32>} : memref<2048x128xf32, #tpu.memory_space<vmem>>, vector<2048x32xf32>,
    %get3A_18 = arith.constant 0 : index
    %get3A_19 = arith.constant 6144 : index
    %get3A_20 = vector.load %arg1[%get3A_18, %get3A_19] : memref<32x8192xf32, #tpu.memory_space<vmem>>, vector<32x2048xf32>
    %transpose3A_21 = tpu.transpose %get3A_20, [1, 0] : vector<32x2048xf32> -> vector<2048x32xf32>
    %swap3A_22 = arith.constant 0 : index
    %swap3A_23 = arith.constant 96 : index
    %swap3A_24 = vector.load %arg2[%swap3A_22, %swap3A_23] : memref<2048x128xf32, #tpu.memory_space<vmem>>, vector<2048x32xf32>
    tpu.vector_store %arg2[%swap3A_22, %swap3A_23], %transpose3A_21 {strides = array<i32>} : memref<2048x128xf32, #tpu.memory_space<vmem>>, vector<2048x32xf32>,
    return
  }
  func.func @transform_0(%arg0: i32) -> (i32, i32) {
    %c0_i32 = arith.constant 0 : i32
    %c0_i32_0 = arith.constant 0 : i32
    return %c0_i32, %arg0 : i32, i32
  }
  func.func @transform_1(%arg0: i32) -> (i32, i32) {
    %c0_i32 = arith.constant 0 : i32
    %c0_i32_0 = arith.constant 0 : i32
    return %arg0, %c0_i32 : i32, i32
  }
}

module attributes {stable_mosaic.version = 14 : i64} {
  func.func @body(%arg0: i32, %arg1: memref<2048x128xf32, #tpu.memory_space<vmem>>, %arg2: memref<2048x128xf32, #tpu.memory_space<vmem>>, %arg3: memref<2048x1xi32, #tpu.memory_space<vmem>>, %arg4: memref<2048x1xi32, #tpu.memory_space<vmem>>, %arg5: memref<32x32xf32, #tpu.memory_space<vmem>>, %arg6: memref<32x32xf32, #tpu.memory_space<vmem>>, %arg7: memref<1x32xf32, #tpu.memory_space<vmem>>, %arg8: memref<1x32xf32, #tpu.memory_space<vmem>>, %arg9: memref<1x1xf32, #tpu.memory_space<vmem>>, %arg10: memref<2048x1xf32, #tpu.memory_space<vmem>>) attributes {dimension_semantics = [#tpu.dimension_semantics<arbitrary>], iteration_bounds = array<i64: 8>, scalar_prefetch = 0 : i64, scratch_operands = 0 : i64, tpu.core_type = #tpu.core_type<tc>, window_params = [{transform_indices = @transform_0, window_bounds = array<i64: 2048, 128>}, {transform_indices = @transform_1, window_bounds = array<i64: 2048, 128>}, {transform_indices = @transform_2, window_bounds = array<i64: 2048, 1>}, {transform_indices = @transform_3, window_bounds = array<i64: 2048, 1>}, {pipeline_mode = #tpu.pipeline_mode<synchronous>, transform_indices = @transform_4, window_bounds = array<i64: 32, 32>}, {pipeline_mode = #tpu.pipeline_mode<synchronous>, transform_indices = @transform_5, window_bounds = array<i64: 32, 32>}, {pipeline_mode = #tpu.pipeline_mode<synchronous>, transform_indices = @transform_6, window_bounds = array<i64: 1, 32>}, {pipeline_mode = #tpu.pipeline_mode<synchronous>, transform_indices = @transform_7, window_bounds = array<i64: 1, 32>}, {pipeline_mode = #tpu.pipeline_mode<synchronous>, transform_indices = @transform_8, window_bounds = array<i64: 1, 1>}, {transform_indices = @transform_9, window_bounds = array<i64: 2048, 1>}]} {
    %broadcast_in_dim3A = arith.constant 0.000000e+00 : f32
    %broadcast_in_dim3A_0 = vector.broadcast %broadcast_in_dim3A : f32 to vector<2048x32xf32>
    %broadcast_in_dim3A_1 = arith.constant 0.000000e+00 : f32
    %broadcast_in_dim3A_2 = vector.broadcast %broadcast_in_dim3A_1 : f32 to vector<2048x32xf32>
    %get3A = arith.constant 0 : index
    %get3A_3 = arith.constant 0 : index
    %get3A_4 = vector.load %arg3[%get3A, %get3A_3] : memref<2048x1xi32, #tpu.memory_space<vmem>>, vector<2048x1xi32>
    %get3A_5 = arith.constant 0 : index
    %get3A_6 = arith.constant 0 : index
    %get3A_7 = vector.load %arg4[%get3A_5, %get3A_6] : memref<2048x1xi32, #tpu.memory_space<vmem>>, vector<2048x1xi32>
    %eq3A = arith.constant 0 : i32
    %eq3A_8 = vector.broadcast %eq3A : i32 to vector<2048x1xi32>
    %eq3A_9 = arith.cmpi eq, %get3A_4, %eq3A_8 : vector<2048x1xi32>
    %convert_element_type3A = arith.extui %eq3A_9 : vector<2048x1xi1> to vector<2048x1xi32>
    %convert_element_type3A_10 = arith.sitofp %convert_element_type3A : vector<2048x1xi32> to vector<2048x1xf32>
    %eq3A_11 = arith.constant 0 : i32
    %eq3A_12 = vector.broadcast %eq3A_11 : i32 to vector<2048x1xi32>
    %eq3A_13 = arith.cmpi eq, %get3A_7, %eq3A_12 : vector<2048x1xi32>
    %convert_element_type3A_14 = arith.extui %eq3A_13 : vector<2048x1xi1> to vector<2048x1xi32>
    %convert_element_type3A_15 = arith.sitofp %convert_element_type3A_14 : vector<2048x1xi32> to vector<2048x1xf32>
    %get3A_16 = arith.constant 0 : index
    %get3A_17 = arith.constant 0 : index
    %get3A_18 = vector.load %arg1[%get3A_16, %get3A_17] : memref<2048x128xf32, #tpu.memory_space<vmem>>, vector<2048x32xf32>
    %mul3A = vector.broadcast %convert_element_type3A_10 : vector<2048x1xf32> to vector<2048x32xf32>
    %mul3A_19 = arith.mulf %mul3A, %get3A_18 : vector<2048x32xf32>
    %add3A = arith.addf %broadcast_in_dim3A_0, %mul3A_19 : vector<2048x32xf32>
    %get3A_20 = arith.constant 0 : index
    %get3A_21 = arith.constant 0 : index
    %get3A_22 = vector.load %arg2[%get3A_20, %get3A_21] : memref<2048x128xf32, #tpu.memory_space<vmem>>, vector<2048x32xf32>
    %mul3A_23 = vector.broadcast %convert_element_type3A_15 : vector<2048x1xf32> to vector<2048x32xf32>
    %mul3A_24 = arith.mulf %mul3A_23, %get3A_22 : vector<2048x32xf32>
    %add3A_25 = arith.addf %broadcast_in_dim3A_2, %mul3A_24 : vector<2048x32xf32>
    %eq3A_26 = arith.constant 1 : i32
    %eq3A_27 = vector.broadcast %eq3A_26 : i32 to vector<2048x1xi32>
    %eq3A_28 = arith.cmpi eq, %get3A_4, %eq3A_27 : vector<2048x1xi32>
    %convert_element_type3A_29 = arith.extui %eq3A_28 : vector<2048x1xi1> to vector<2048x1xi32>
    %convert_element_type3A_30 = arith.sitofp %convert_element_type3A_29 : vector<2048x1xi32> to vector<2048x1xf32>
    %eq3A_31 = arith.constant 1 : i32
    %eq3A_32 = vector.broadcast %eq3A_31 : i32 to vector<2048x1xi32>
    %eq3A_33 = arith.cmpi eq, %get3A_7, %eq3A_32 : vector<2048x1xi32>
    %convert_element_type3A_34 = arith.extui %eq3A_33 : vector<2048x1xi1> to vector<2048x1xi32>
    %convert_element_type3A_35 = arith.sitofp %convert_element_type3A_34 : vector<2048x1xi32> to vector<2048x1xf32>
    %get3A_36 = arith.constant 0 : index
    %get3A_37 = arith.constant 32 : index
    %get3A_38 = vector.load %arg1[%get3A_36, %get3A_37] : memref<2048x128xf32, #tpu.memory_space<vmem>>, vector<2048x32xf32>
    %mul3A_39 = vector.broadcast %convert_element_type3A_30 : vector<2048x1xf32> to vector<2048x32xf32>
    %mul3A_40 = arith.mulf %mul3A_39, %get3A_38 : vector<2048x32xf32>
    %add3A_41 = arith.addf %add3A, %mul3A_40 : vector<2048x32xf32>
    %get3A_42 = arith.constant 0 : index
    %get3A_43 = arith.constant 32 : index
    %get3A_44 = vector.load %arg2[%get3A_42, %get3A_43] : memref<2048x128xf32, #tpu.memory_space<vmem>>, vector<2048x32xf32>
    %mul3A_45 = vector.broadcast %convert_element_type3A_35 : vector<2048x1xf32> to vector<2048x32xf32>
    %mul3A_46 = arith.mulf %mul3A_45, %get3A_44 : vector<2048x32xf32>
    %add3A_47 = arith.addf %add3A_25, %mul3A_46 : vector<2048x32xf32>
    %eq3A_48 = arith.constant 2 : i32
    %eq3A_49 = vector.broadcast %eq3A_48 : i32 to vector<2048x1xi32>
    %eq3A_50 = arith.cmpi eq, %get3A_4, %eq3A_49 : vector<2048x1xi32>
    %convert_element_type3A_51 = arith.extui %eq3A_50 : vector<2048x1xi1> to vector<2048x1xi32>
    %convert_element_type3A_52 = arith.sitofp %convert_element_type3A_51 : vector<2048x1xi32> to vector<2048x1xf32>
    %eq3A_53 = arith.constant 2 : i32
    %eq3A_54 = vector.broadcast %eq3A_53 : i32 to vector<2048x1xi32>
    %eq3A_55 = arith.cmpi eq, %get3A_7, %eq3A_54 : vector<2048x1xi32>
    %convert_element_type3A_56 = arith.extui %eq3A_55 : vector<2048x1xi1> to vector<2048x1xi32>
    %convert_element_type3A_57 = arith.sitofp %convert_element_type3A_56 : vector<2048x1xi32> to vector<2048x1xf32>
    %get3A_58 = arith.constant 0 : index
    %get3A_59 = arith.constant 64 : index
    %get3A_60 = vector.load %arg1[%get3A_58, %get3A_59] : memref<2048x128xf32, #tpu.memory_space<vmem>>, vector<2048x32xf32>
    %mul3A_61 = vector.broadcast %convert_element_type3A_52 : vector<2048x1xf32> to vector<2048x32xf32>
    %mul3A_62 = arith.mulf %mul3A_61, %get3A_60 : vector<2048x32xf32>
    %add3A_63 = arith.addf %add3A_41, %mul3A_62 : vector<2048x32xf32>
    %get3A_64 = arith.constant 0 : index
    %get3A_65 = arith.constant 64 : index
    %get3A_66 = vector.load %arg2[%get3A_64, %get3A_65] : memref<2048x128xf32, #tpu.memory_space<vmem>>, vector<2048x32xf32>
    %mul3A_67 = vector.broadcast %convert_element_type3A_57 : vector<2048x1xf32> to vector<2048x32xf32>
    %mul3A_68 = arith.mulf %mul3A_67, %get3A_66 : vector<2048x32xf32>
    %add3A_69 = arith.addf %add3A_47, %mul3A_68 : vector<2048x32xf32>
    %eq3A_70 = arith.constant 3 : i32
    %eq3A_71 = vector.broadcast %eq3A_70 : i32 to vector<2048x1xi32>
    %eq3A_72 = arith.cmpi eq, %get3A_4, %eq3A_71 : vector<2048x1xi32>
    %convert_element_type3A_73 = arith.extui %eq3A_72 : vector<2048x1xi1> to vector<2048x1xi32>
    %convert_element_type3A_74 = arith.sitofp %convert_element_type3A_73 : vector<2048x1xi32> to vector<2048x1xf32>
    %eq3A_75 = arith.constant 3 : i32
    %eq3A_76 = vector.broadcast %eq3A_75 : i32 to vector<2048x1xi32>
    %eq3A_77 = arith.cmpi eq, %get3A_7, %eq3A_76 : vector<2048x1xi32>
    %convert_element_type3A_78 = arith.extui %eq3A_77 : vector<2048x1xi1> to vector<2048x1xi32>
    %convert_element_type3A_79 = arith.sitofp %convert_element_type3A_78 : vector<2048x1xi32> to vector<2048x1xf32>
    %get3A_80 = arith.constant 0 : index
    %get3A_81 = arith.constant 96 : index
    %get3A_82 = vector.load %arg1[%get3A_80, %get3A_81] : memref<2048x128xf32, #tpu.memory_space<vmem>>, vector<2048x32xf32>
    %mul3A_83 = vector.broadcast %convert_element_type3A_74 : vector<2048x1xf32> to vector<2048x32xf32>
    %mul3A_84 = arith.mulf %mul3A_83, %get3A_82 : vector<2048x32xf32>
    %add3A_85 = arith.addf %add3A_63, %mul3A_84 : vector<2048x32xf32>
    %get3A_86 = arith.constant 0 : index
    %get3A_87 = arith.constant 96 : index
    %get3A_88 = vector.load %arg2[%get3A_86, %get3A_87] : memref<2048x128xf32, #tpu.memory_space<vmem>>, vector<2048x32xf32>
    %mul3A_89 = vector.broadcast %convert_element_type3A_79 : vector<2048x1xf32> to vector<2048x32xf32>
    %mul3A_90 = arith.mulf %mul3A_89, %get3A_88 : vector<2048x32xf32>
    %add3A_91 = arith.addf %add3A_69, %mul3A_90 : vector<2048x32xf32>
    %get3A_92 = arith.constant 0 : index
    %get3A_93 = arith.constant 0 : index
    %get3A_94 = vector.load %arg5[%get3A_92, %get3A_93] : memref<32x32xf32, #tpu.memory_space<vmem>>, vector<32x32xf32>
    %dot_general3A = arith.constant dense<0.000000e+00> : vector<2048x32xf32>
    %dot_general3A_95 = tpu.matmul %add3A_85, %get3A_94, %dot_general3A {dimension_numbers = #tpu.dot_dimension_numbers<[1], [0], [0], [1], [0, 0, 1, 1], [], []>, transpose_lhs_hint = false} : vector<2048x32xf32>, vector<32x32xf32>, vector<2048x32xf32> -> vector<2048x32xf32>
    %get3A_96 = arith.constant 0 : index
    %get3A_97 = arith.constant 0 : index
    %get3A_98 = vector.load %arg6[%get3A_96, %get3A_97] : memref<32x32xf32, #tpu.memory_space<vmem>>, vector<32x32xf32>
    %dot_general3A_99 = arith.constant dense<0.000000e+00> : vector<2048x32xf32>
    %dot_general3A_100 = tpu.matmul %add3A_91, %get3A_98, %dot_general3A_99 {dimension_numbers = #tpu.dot_dimension_numbers<[1], [0], [0], [1], [0, 0, 1, 1], [], []>, transpose_lhs_hint = false} : vector<2048x32xf32>, vector<32x32xf32>, vector<2048x32xf32> -> vector<2048x32xf32>
    %add3A_101 = arith.addf %dot_general3A_95, %dot_general3A_100 : vector<2048x32xf32>
    %get3A_102 = arith.constant 0 : index
    %get3A_103 = arith.constant 0 : index
    %get3A_104 = vector.load %arg7[%get3A_102, %get3A_103] : memref<1x32xf32, #tpu.memory_space<vmem>>, vector<1x32xf32>
    %add3A_105 = vector.broadcast %get3A_104 : vector<1x32xf32> to vector<2048x32xf32>
    %add3A_106 = arith.addf %add3A_101, %add3A_105 : vector<2048x32xf32>
    %max3A = arith.constant 0.000000e+00 : f32
    %max3A_107 = vector.broadcast %max3A : f32 to vector<2048x32xf32>
    %max3A_108 = arith.maximumf %add3A_106, %max3A_107 : vector<2048x32xf32>
    %get3A_109 = arith.constant 0 : index
    %get3A_110 = arith.constant 0 : index
    %get3A_111 = vector.load %arg8[%get3A_109, %get3A_110] : memref<1x32xf32, #tpu.memory_space<vmem>>, vector<1x32xf32>
    %mul3A_112 = vector.broadcast %get3A_111 : vector<1x32xf32> to vector<2048x32xf32>
    %mul3A_113 = arith.mulf %max3A_108, %mul3A_112 : vector<2048x32xf32>
    %reduce_sum3A = arith.constant dense<0.000000e+00> : vector<2048xf32>
    %reduce_sum3A_114 = vector.multi_reduction <add>, %mul3A_113, %reduce_sum3A [1] : vector<2048x32xf32> to vector<2048xf32>
    %broadcast_in_dim3A_115 = vector.shape_cast %reduce_sum3A_114 : vector<2048xf32> to vector<2048x1xf32>
    %get3A_116 = arith.constant 0 : index
    %get3A_117 = arith.constant 0 : index
    %get3A_118 = vector.load %arg9[%get3A_116, %get3A_117] : memref<1x1xf32, #tpu.memory_space<vmem>>, vector<1x1xf32>
    %get3A_119 = vector.extract %get3A_118[0, 0] : f32 from vector<1x1xf32>
    %add3A_120 = vector.broadcast %get3A_119 : f32 to vector<2048x1xf32>
    %add3A_121 = arith.addf %broadcast_in_dim3A_115, %add3A_120 : vector<2048x1xf32>
    %max3A_122 = arith.constant 0.000000e+00 : f32
    %max3A_123 = vector.broadcast %max3A_122 : f32 to vector<2048x1xf32>
    %max3A_124 = arith.maximumf %add3A_121, %max3A_123 : vector<2048x1xf32>
    %swap3A = arith.constant 0 : index
    %swap3A_125 = arith.constant 0 : index
    %swap3A_126 = vector.load %arg10[%swap3A, %swap3A_125] : memref<2048x1xf32, #tpu.memory_space<vmem>>, vector<2048x1xf32>
    tpu.vector_store %arg10[%swap3A, %swap3A_125], %max3A_124 {strides = array<i32>} : memref<2048x1xf32, #tpu.memory_space<vmem>>, vector<2048x1xf32>,
    return
  }
  func.func @transform_0(%arg0: i32) -> (i32, i32) {
    %c0_i32 = arith.constant 0 : i32
    %c0_i32_0 = arith.constant 0 : i32
    return %arg0, %c0_i32 : i32, i32
  }
  func.func @transform_1(%arg0: i32) -> (i32, i32) {
    %c0_i32 = arith.constant 0 : i32
    %c0_i32_0 = arith.constant 0 : i32
    return %arg0, %c0_i32 : i32, i32
  }
  func.func @transform_2(%arg0: i32) -> (i32, i32) {
    %c0_i32 = arith.constant 0 : i32
    %c0_i32_0 = arith.constant 0 : i32
    return %arg0, %c0_i32 : i32, i32
  }
  func.func @transform_3(%arg0: i32) -> (i32, i32) {
    %c0_i32 = arith.constant 0 : i32
    %c0_i32_0 = arith.constant 0 : i32
    return %arg0, %c0_i32 : i32, i32
  }
  func.func @transform_4(%arg0: i32) -> (i32, i32) {
    %c0_i32 = arith.constant 0 : i32
    %c0_i32_0 = arith.constant 0 : i32
    %c0_i32_1 = arith.constant 0 : i32
    return %c0_i32, %c0_i32_0 : i32, i32
  }
  func.func @transform_5(%arg0: i32) -> (i32, i32) {
    %c0_i32 = arith.constant 0 : i32
    %c0_i32_0 = arith.constant 0 : i32
    %c0_i32_1 = arith.constant 0 : i32
    return %c0_i32, %c0_i32_0 : i32, i32
  }
  func.func @transform_6(%arg0: i32) -> (i32, i32) {
    %c0_i32 = arith.constant 0 : i32
    %c0_i32_0 = arith.constant 0 : i32
    %c0_i32_1 = arith.constant 0 : i32
    return %c0_i32, %c0_i32_0 : i32, i32
  }
  func.func @transform_7(%arg0: i32) -> (i32, i32) {
    %c0_i32 = arith.constant 0 : i32
    %c0_i32_0 = arith.constant 0 : i32
    %c0_i32_1 = arith.constant 0 : i32
    return %c0_i32, %c0_i32_0 : i32, i32
  }
  func.func @transform_8(%arg0: i32) -> (i32, i32) {
    %c0_i32 = arith.constant 0 : i32
    %c0_i32_0 = arith.constant 0 : i32
    %c0_i32_1 = arith.constant 0 : i32
    return %c0_i32, %c0_i32_0 : i32, i32
  }
  func.func @transform_9(%arg0: i32) -> (i32, i32) {
    %c0_i32 = arith.constant 0 : i32
    %c0_i32_0 = arith.constant 0 : i32
    return %arg0, %c0_i32 : i32, i32
  }
}

</mosaic_0001>

<sc_bundles>
// kernel: kernel.6.cloned.1.call-start
scs
__scs_entry_jumppad:
0x0: {  	(pc) =	sbr.rel $0x88, $3  }
0x1: {  	(tag) =	ssettag $0x0;
	lr =	simm.s32 $0x1  }
0x2: {  	[smem:$0x3F99] =	sst lr;
	_ =	strace $0xD0000000  }
0x3: {  	_ = 	snop  }
0x4: {  	_ = 	snop  }
0x5: {  	_ = 	snop  }
0x6: {  	_ = 	snop  }
0x7: {  	_ = 	snop  }
__scs_overlays_trampoline_lowered:
0x8: {  	[smem:$0x3FA8] =	sst s0  }
0x9: {  	[smem:$0x3FA9] =	sst s1  }
0xa: {  	[smem:$0x3FAA] =	sst s2  }
0xb: {  	[smem:$0x3FAB] =	sst s3  }
0xc: {  	[smem:$0x3FAC] =	sst s4  }
0xd: {  	[smem:$0x3FAD] =	sst s5  }
0xe: {  	[smem:$0x3FAE] =	sst s6  }
0xf: {  	[smem:$0x3FAF] =	sst s7  }
0x10: {  	[smem:$0x3FB0] =	sst s8  }
0x11: {  	[smem:$0x3FB1] =	sst s9;
	s0 =	simm.s32 @!p0 $0x0  }
0x12: {  	s1 =	sld [smem:$0x3F97];
	s0 =	simm.s32 @p0 $0x1  }
0x13: {  	[smem:$0x3FB2] =	sst s0;
	s0 =	simm.s32 @!p1 $0x0  }
0x14: {  	s2 =	sld [smem:$0x3F96];
	s0 =	simm.s32 @p1 $0x1  }
0x15: {  	[smem:$0x3FB3] =	sst s0;
	s0 =	simm.s32 @!p2 $0x0  }
0x16: {  	s3 =	sld [smem:$0x3FDB];
	s0 =	simm.s32 @p2 $0x1  }
0x17: {  	s4 =	simm.s32 $0x1BF5;
	[smem:$0x3FB5] =	sst s0  }
0x18: {  	s0 =	sld [smem:$0x3F98];
	_ =	swait.ge [sflag:s4], $0x0  }
0x19: {  	s7 =	sld [smem:$0x3F99]  }
0x1a: {  	s8 =	sadd.s32 $0xFFFFE003, lr  }
0x1b: {  	s9 =	sadd.s32 $0xFFFFFEF7, lr;
	s5 =	simm.s32 $0xFFFFFFFF;
	p2 =	slt.u32 s8, $0xFFFFF086  }
0x1c: {  	p1 =	slt.u32 s9, $0xF7A;
	s5 =	simm.s32 @!p2 $0x0  }
0x1d: {  	s5 =	simm.s32 @p1 $0x1;
	p0 =	seq.s32 s7, s2  }
0x1e: {  	s7 =	smul.u32 @!p0 $0xF7A, s2;
	p2 =	seq.s32 @!p0 s5, $0x0  }
0x1f: {  	s9 =	smul.u32 $0xF7A, s1;
	s8 =	simm.s32 @!p0 $0x1BF5;
	p2 =	por !p2, p0  }
0x20: {  	[sflag:s8] =	ssyncset.s32 @!p0 $0xFFFFF086;
	s6 =	sadd.s32 @!p0 s3, s7;
	s7 =	simm.s32 @!p0 $0x108  }
0x21: {  	s3 =	sadd.s32 s3, s9;
	s6 =	sadd.s32 @!p0 $0x88, s6;
	s7 =	simm.s32 @p2 $0x1082  }
0x22: {  	[simem:s7], [sflag:s8] =	dma.local @!p0 [hbm:s6], $0xF7A  }
0x23: {  	s9 =	sor.u32 $0xD0000000, s2;
	s6 =	simm.s32 $0x108;
	_ =	swait.ge @!p0 [sflag:s8], $0x0  }
0x24: {  	s3 =	sadd.s32 $0x88, s3;
	s6 =	simm.s32 @!p1 $0x1082;
	[sflag:s4] =	ssyncset.s32 $0xFFFFF086  }
0x25: {  	[simem:s6], [sflag:s4] =	dma.local [hbm:s3], $0xF7A  }
0x26: {  	[smem:$0x3F99] =	sst s1;
	(tag) =	ssettag s2;
	_ =	strace s9  }
0x27: {  	s1 =	sld [smem:$0x3FA9]  }
0x28: {  	s2 =	sld [smem:$0x3FAA]  }
0x29: {  	s4 =	sld [smem:$0x3FAC]  }
0x2a: {  	p0 =	seq.s32 s5, $0x0;
	s5 =	sld [smem:$0x3FAD]  }
0x2b: {  	s6 =	sld [smem:$0x3FAE]  }
0x2c: {  	s7 =	sld [smem:$0x3FAF]  }
0x2d: {  	s3 =	simm.s32 $0x108;
	s8 =	sld [smem:$0x3FB0]  }
0x2e: {  	s3 =	simm.s32 @!p0 $0x1082;
	s9 =	sld [smem:$0x3FB1]  }
0x2f: {  	lr =	sadd.s32 s0, s3;
	s0 =	sld [smem:$0x3FA8]  }
0x30: {  	s3 =	sld [smem:$0x3FAB]  }
0x31: {  	[smem:$0x3FB4] =	sst s10  }
0x32: {  	s10 =	sld [smem:$0x3FB2];
	_ =	sdelay $0x3  }
0x33: {  	p0 =	seq.s32 s10, $0x1;
	s10 =	sld [smem:$0x3FB4];
	_ =	sdelay $0x3  }
0x34: {  	[smem:$0x3FB4] =	sst s10  }
0x35: {  	s10 =	sld [smem:$0x3FB3];
	_ =	sdelay $0x3  }
0x36: {  	p1 =	seq.s32 s10, $0x1;
	s10 =	sld [smem:$0x3FB4];
	_ =	sdelay $0x3  }
0x37: {  	[smem:$0x3FB4] =	sst s10  }
0x38: {  	s10 =	sld [smem:$0x3FB5]  }
0x39: {  	_ = 	snop;
	(pc) =	sbr.ind lr, $3  }
0x3a: {  	_ = 	snop  }
0x3b: {  	_ = 	snop  }
0x3c: {  	p2 =	seq.s32 s10, $0x1;
	s10 =	sld [smem:$0x3FB4]  }
0x3d: {  	_ =	shalt  }
0x3e: {  	_ =	shalt  }
0x3f: {  	_ =	shalt  }
0x40: {  	_ =	shalt  }
0x41: {  	_ =	shalt  }
0x42: {  	_ =	shalt  }
0x43: {  	_ =	shalt  }
0x44: {  	_ =	shalt  }
0x45: {  	_ =	shalt  }
0x46: {  	_ =	shalt  }
0x47: {  	_ =	shalt  }
0x48: {  	_ =	shalt  }
0x49: {  	_ =	shalt  }
0x4a: {  	_ =	shalt  }
0x4b: {  	_ =	shalt  }
0x4c: {  	_ =	shalt  }
0x4d: {  	_ =	shalt  }
0x4e: {  	_ =	shalt  }
0x4f: {  	_ =	shalt  }
0x50: {  	_ =	shalt  }
0x51: {  	_ =	shalt  }
0x52: {  	_ =	shalt  }
0x53: {  	_ =	shalt  }
0x54: {  	_ =	shalt  }
0x55: {  	_ =	shalt  }
0x56: {  	_ =	shalt  }
0x57: {  	_ =	shalt  }
0x58: {  	_ =	shalt  }
0x59: {  	_ =	shalt  }
0x5a: {  	_ =	shalt  }
0x5b: {  	_ =	shalt  }
0x5c: {  	_ =	shalt  }
0x5d: {  	_ =	shalt  }
0x5e: {  	_ =	shalt  }
0x5f: {  	_ =	shalt  }
0x60: {  	_ =	shalt  }
0x61: {  	_ =	shalt  }
0x62: {  	_ =	shalt  }
0x63: {  	_ =	shalt  }
0x64: {  	_ =	shalt  }
0x65: {  	_ =	shalt  }
0x66: {  	_ =	shalt  }
0x67: {  	_ =	shalt  }
0x68: {  	_ =	shalt  }
0x69: {  	_ =	shalt  }
0x6a: {  	_ =	shalt  }
0x6b: {  	_ =	shalt  }
0x6c: {  	_ =	shalt  }
0x6d: {  	_ =	shalt  }
0x6e: {  	_ =	shalt  }
0x6f: {  	_ =	shalt  }
0x70: {  	_ =	shalt  }
0x71: {  	_ =	shalt  }
0x72: {  	_ =	shalt  }
0x73: {  	_ =	shalt  }
0x74: {  	_ =	shalt  }
0x75: {  	_ =	shalt  }
0x76: {  	_ =	shalt  }
0x77: {  	_ =	shalt  }
0x78: {  	_ =	shalt  }
0x79: {  	_ =	shalt  }
0x7a: {  	_ =	shalt  }
0x7b: {  	_ =	shalt  }
0x7c: {  	_ =	shalt  }
0x7d: {  	_ =	shalt  }
0x7e: {  	_ =	shalt  }
0x7f: {  	_ =	shalt  }
0x80: {  	_ =	shalt  }
0x81: {  	_ =	shalt  }
0x82: {  	_ =	shalt  }
0x83: {  	_ =	shalt  }
0x84: {  	_ =	shalt  }
0x85: {  	_ =	shalt  }
0x86: {  	_ =	shalt  }
0x87: {  	_ =	shalt  }
.Lfunc_end0:
.L_simem_size_0:
called_computation_lowered:
.L_overlay_start_0:
0x88: {  	s2 =	sld [smem:$0x3FD9]  }
0x89: {  	s3 =	sld [smem:$0x3FFE];
	_ =	sdelay $0x1  }
0x8a: {  	s1 =	srdreg.scid  }
0x8b: {  	s0 =	sand.u32 $0x1, s1  }
0x8c: {  	s17 =	sshll.u32 s0, $0xA;
	s2 =	sadd.s32 s3, s2  }
0x8d: {  	s2 =	sadd.s32 s2, s17  }
0x8e: {  	[smem:$0x3FC0] =	sst s2  }
0x8f: {  	_ = 	snop  }
0x90: {  	s2 =	sld [smem:$0x3FC9]  }
0x91: {  	s18 =	sld [smem:$0x3FC8];
	(tm) =	ssettm $0x1  }
0x92: {  	s4 =	sld [smem:$0x3FFB];
	_ =	sdelay $0x3  }
0x93: {  	_ =	strace s4  }
0x94: {  	s4 =	sld [smem:$0x3FFC];
	_ =	sdelay $0x3  }
0x95: {  	_ =	strace s4  }
0x96: {  	s4 =	sld [smem:$0x3FFD];
	_ =	sdelay $0x3  }
0x97: {  	_ =	strace s4  }
0x98: {  	_ =	strace $0x8FFFFFFF  }
0x99: {  	s19 =	sld [smem:$0x3FDB];
	_ =	sdelay $0x1  }
0x9a: {  	s5 =	simm.s32 $_scs_section_size  }
0x9b: {  	s6 =	simm.s32 $_size__tile_overlayer_lowered;
	s7 =	simm.s32 $_tile_overlayer_lowered  }
0x9c: {  	s22 =	simm.s32 $0x1BFF;
	s21 =	sshll.u32 s7, $0x1;
	s4 =	sadd.s32 s5, s19  }
0x9d: {  	s8 =	simm.s32 $0x0;
	s20 =	sshll.u32 s6, $0x1;
	s6 =	sadd.s32 s21, s4  }
0x9e: {  	[timem:s8], [sflag:s22] =	dma.local [hbm:s6], s20  }
0x9f: {  	_ =	swait.ge [sflag:s22], s20  }
0xa0: {  	s5 =	ssub.s32 $0x0, s20;
	[sflag:s22] =	ssyncset.done $0x0  }
0xa1: {  	[sflag:s22] =	ssyncadd.s32 s5;
	_ =	sdelay $0x1  }
0xa2: {  	s23 =	simm.s32 $0x1B8B  }
0xa3: {  	_ =	swait.ge [sflag:s23], $0x1  }
0xa4: {  	[sflag:s23] =	ssyncset.done $0x0  }
0xa5: {  	s25 =	simm.s32 $0x1B8E;
	s24 =	sld [smem:$0x3FFE];
	[sflag:s23] =	ssyncadd.s32 $0xFFFFFFFF  }
0xa6: {  	s26 =	simm.s32 $execute0_lowered;
	[smem:$0x3FD2] =	sst s25  }
0xa7: {  	s6 =	sshll.u32 s26, $0x1;
	_ =	strace $0x80000046;
	[dreg:$0x1] =	wrdreg $0xFFFFFFFF  }
0xa8: {  	s28 =	simm.s32 $_size_execute0_lowered;
	s4 =	sadd.s32 s4, s6;
	[dreg:$0x0] =	wrdreg $0x0  }
0xa9: {  	s6 =	sshll.u32 s28, $0x1;
	[dreg:$0x2] =	wrdreg s4  }
0xaa: {  	[dreg:$0x3] =	wrdreg s6  }
0xab: {  	[dreg:$0x4] =	wrdreg $0xC0  }
0xac: {  	_ =	task [dreg:s8], $0x5FFFF  }
0xad: {  	[dreg:$0x1] =	wrdreg $0xFFFFFFFF  }
0xae: {  	[dreg:$0x0] =	wrdreg $0x60  }
0xaf: {  	[dreg:$0x2] =	wrdreg s2  }
0xb0: {  	[dreg:$0x3] =	wrdreg s18  }
0xb1: {  	[dreg:$0x4] =	wrdreg s24  }
0xb2: {  	[dreg:$0x5] =	wrdreg $0x9  }
0xb3: {  	_ =	task.clear_ibuf [dreg:s8], $0x6FFFF;
	_ =	strace $0x90000046  }
0xb4: {  	s29 =	simm.s32 $0x9;
	_ =	strace $0x80000048  }
0xb5: {  	_ =	swait.ge [sflag:s29], $0x1  }
0xb6: {  	[sflag:s29] =	ssyncadd.s32 $0xFFFFFFFF  }
0xb7: {  	_ =	strace $0x90000048  }
0xb8: {  	_ =	sfence  }
0xb9: {  	s30 =	sld [smem:$0x0];
	_ =	sdelay $0x2  }
0xba: {  	s31 =	sshll.u32 s1, $0xD;
	s1 =	sshrl.u32 s1, $0x2  }
0xbb: {  	s3 =	sand.u32 $0x4000, s31;
	s1 =	sadd.s32 s1, s30  }
0xbc: {  	s0 =	sor.u32 s3, s0;
	s1 =	sshll.u32 s1, $0x11  }
0xbd: {  	s0 =	sor.u32 s1, s0  }
0xbe: {  	s0 =	sadd.s32 $0x8F2B, s0  }
0xbf: {  	[sflag:s0] =	ssyncadd.remote.s32 $0x1  }
0xc0: {  	_ =	sfence.sel $0xFFFF  }
0xc1: {  	[dreg:$0x0] =	wrdreg $0xFFFFFFFF;
	(pc) =	sbr.abs _section_cstart, $3  }
0xc2: {  	[dreg:$0x1] =	wrdreg $0xFFFFFFFF  }
0xc3: {  	_ =	task.clear_ibuf [dreg:s8], $0x2FFFF;
	_ =	strace $0x9FFFFFFF  }
0xc4: {  	(tm) =	ssettm $0x7FFFFFFF  }
0xc5: {  	_ =	shalt  }
tec
execute0_lowered:
.L_overlay_start_1:
0x0: {  	(tag) =	ssettag $0x1  }
0x1: {  	s5 =	rddreg [dreg:$0x0]  }
0x2: {  	s6 =	rddreg [dreg:$0x1]  }
0x3: {  	s3 =	rddreg [dreg:$0x2]  }
0x4: {  	s0 =	rddreg [dreg:$0x3]  }
0x5: {  	s1 =	simm.s32 $0x0;
	s4 =	srdreg.scid;
	s17 =	simm.s32 $0x200  }
0x6: {  	s18 =	simm.s32 $0x80;
	s19 =	simm.s32 $0x400;
	s20 =	simm.s32 $0x800  }
0x7: {  	s21 =	simm.s32 $0x600;
	s22 =	simm.s32 $0x4800;
	s23 =	simm.s32 $0x1  }
0x8: {  	s28 =	simm.s32 $0x500;
	s29 =	simm.s32 $0x700;
	s30 =	simm.s32 $0x580  }
0x9: {  	s31 =	simm.s32 $0x780;
	[smem:$0x7FF] =	sst s1;
	s2 =	sadd.s32 $0x1400, s3  }
0xa: {  	s7 =	sand.u32 $0x1, s4;
	s4 =	sadd.s32 $0x3D9400, s3;
	s13 =	sadd.s32 $0x441400, s3  }
0xb: {  	s14 =	sadd.s32 $0x481400, s3;
	s3 =	stileid.u32;
	_ =	strace $0x80000047  }
0xc: {  	s8 =	ssub.s32 $0x2, s7;
	s24 =	sshll.u32 s3, $0x7;
	s25 =	sshll.u32 s7, $0x6  }
0xd: {  	s26 =	sshll.u32 s3, $0xE;
	s7 =	sshll.u32 s7, $0xD;
	s9 =	sshrl.u32 s8, $0x1  }
0xe: {  	s16 =	sor.u32 s7, s26;
	s26 =	simm.s32 $0x680;
	s15 =	ssub.s32 s8, s9  }
0xf: {  	s8 =	sor.u32 s25, s24;
	s7 =	sadd.s32 s13, s16;
	s10 =	sor.u32 $0x800, s16  }
0x10: {  	s12 =	sor.u32 $0x1000, s16;
	s24 =	simm.s32 $0x2;
	s25 =	simm.s32 $0x480  }
0x11: {  	s5 =	sadd.s32 s5, s8;
	s6 =	sadd.s32 s6, s8;
	s8 =	sadd.s32 s14, s16  }
0x12: {  	s9 =	sadd.s32 s13, s10;
	s10 =	sadd.s32 s14, s10;
	s11 =	sadd.s32 s13, s12  }
0x13: {  	s12 =	sadd.s32 s14, s12;
	s16 =	sor.u32 $0x1800, s16;
	s15 =	smax.u32 s15, $0x1  }
0x14: {  	s13 =	sadd.s32 s13, s16;
	s14 =	sadd.s32 s14, s16;
	s16 =	simm.s32 $0x3  }
.LBB2_1:
0x15: {  	[tilespmem:s1], [sflag:$0x3] =	stream.linear.gather [hbm4b:s5+s1], $0x200, $0x38;
	[tilespmem:$0x8800] =	vst v63  }
0x16: {  	_ =	swait.ge [sflag:s16], $0x200  }
0x17: {  	[sflag:s16] =	ssyncset.done $0x0  }
0x18: {  	[sflag:s16] =	ssyncadd.s32 $0xFFFFFE00  }
0x19: {  	[tilespmem:s17], [sflag:$0x3] =	stream.linear.gather [hbm4b:s6+s1], $0x200, $0x38;
	[tilespmem:$0x8800] =	vst v63  }
0x1a: {  	_ =	swait.ge [sflag:s16], $0x200  }
0x1b: {  	[sflag:s16] =	ssyncset.done $0x0  }
0x1c: {  	[sflag:s16] =	ssyncadd.s32 $0xFFFFFE00  }
0x1d: {  	v0 =	vld [tilespmem:$0x0]  }
0x1e: {  	v1 =	vld [tilespmem:$0x200]  }
0x1f: {  	v2 =	vld [tilespmem:$0x10]  }
0x20: {  	v3 =	vld [tilespmem:$0x210]  }
0x21: {  	v5 =	vld [tilespmem:$0x20]  }
0x22: {  	v7 =	vld [tilespmem:$0x220]  }
0x23: {  	v41 =	vld [tilespmem:$0x30]  }
0x24: {  	v9 =	vld [tilespmem:$0x230]  }
0x25: {  	v10 =	vld [tilespmem:$0x40]  }
0x26: {  	v46 =	vld [tilespmem:$0x240]  }
0x27: {  	v12 =	vld [tilespmem:$0x50]  }
0x28: {  	v13 =	vld [tilespmem:$0x250]  }
0x29: {  	v51 =	vld [tilespmem:$0x60]  }
0x2a: {  	v15 =	vld [tilespmem:$0x260]  }
0x2b: {  	v16 =	vld [tilespmem:$0x70];
	v4 =	vshrl.u32 v0, $0x2;
	v6 =	vshrl.u32 v1, $0x2;
	v0 =	vand.u32 $0x7FF, v0  }
0x2c: {  	v56 =	vld [tilespmem:$0x270];
	v1 =	vand.u32 $0x7FF, v1;
	v40 =	vshrl.u32 v2, $0x2;
	v2 =	vand.u32 $0x7FF, v2  }
0x2d: {  	v18 =	vld [tilespmem:$0x80];
	v8 =	vshrl.u32 v3, $0x2;
	v43 =	vshrl.u32 v5, $0x2;
	v3 =	vand.u32 $0x7FF, v3  }
0x2e: {  	v19 =	vld [tilespmem:$0x280];
	v5 =	vand.u32 $0x7FF, v5;
	v45 =	vshrl.u32 v7, $0x2;
	v7 =	vand.u32 $0x7FF, v7  }
0x2f: {  	v60 =	vld [tilespmem:$0x90];
	v11 =	vshrl.u32 v41, $0x2;
	v48 =	vshrl.u32 v9, $0x2;
	v9 =	vand.u32 $0x7FF, v9  }
0x30: {  	v21 =	vld [tilespmem:$0x290];
	v50 =	vshrl.u32 v10, $0x2;
	v10 =	vand.u32 $0x7FF, v10;
	v14 =	vshrl.u32 v46, $0x2  }
0x31: {  	v22 =	vld [tilespmem:$0xA0];
	v53 =	vshrl.u32 v12, $0x2;
	v12 =	vand.u32 $0x7FF, v12;
	v55 =	vshrl.u32 v13, $0x2  }
0x32: {  	v24 =	vld [tilespmem:$0x2A0];
	v13 =	vand.u32 $0x7FF, v13;
	v17 =	vshrl.u32 v51, $0x2;
	v58 =	vshrl.u32 v15, $0x2  }
0x33: {  	v15 =	vand.u32 $0x7FF, v15;
	v59 =	vshrl.u32 v16, $0x2;
	v16 =	vand.u32 $0x7FF, v16  }
0x34: {  	v20 =	vshrl.u32 v56, $0x2;
	v62 =	vshrl.u32 v18, $0x2;
	v18 =	vand.u32 $0x7FF, v18  }
0x35: {  	v63 =	vshrl.u32 v19, $0x2;
	v26 =	vand.u32 $0x7FF, v19;
	v27 =	vshrl.u32 v60, $0x2  }
0x36: {  	v23 =	vld [tilespmem:$0xB0];
	v29 =	vshrl.u32 v21, $0x2;
	v30 =	vand.u32 $0x7FF, v60;
	v32 =	vand.u32 $0x7FF, v21  }
0x37: {  	v36 =	vld [tilespmem:$0xC0];
	v35 =	vshrl.u32 v22, $0x2;
	v37 =	vand.u32 $0x7FF, v22;
	v38 =	vshrl.u32 v24, $0x2  }
0x38: {  	v39 =	vld [tilespmem:$0x2C0];
	v4 =	vand.u32 $0x3FFFF800, v4;
	v6 =	vand.u32 $0x3FFFF800, v6;
	v42 =	vand.u32 $0x3FFFF800, v8  }
0x39: {  	v8 =	vand.u32 $0x3FFFF800, v43;
	v47 =	vand.u32 $0x3FFFF800, v11;
	v11 =	vand.u32 $0x3FFFF800, v48  }
0x3a: {  	v52 =	vand.u32 $0x3FFFF800, v14;
	v14 =	vand.u32 $0x3FFFF800, v53;
	v57 =	vand.u32 $0x3FFFF800, v17  }
0x3b: {  	v17 =	vand.u32 $0x3FFFF800, v58;
	v61 =	vand.u32 $0x3FFFF800, v20;
	v20 =	vand.u32 $0x3FFFF800, v62  }
0x3c: {  	v25 =	vand.u32 $0x3FFFF800, v63;
	v28 =	vand.u32 $0x3FFFF800, v27;
	v31 =	vand.u32 $0x3FFFF800, v29  }
0x3d: {  	v43 =	vand.u32 $0x7FF, v23;
	v48 =	vshrl.u32 v36, $0x2;
	v53 =	vand.u32 $0x7FF, v39  }
0x3e: {  	v0 =	vor.u32 v0, v4;
	v1 =	vor.u32 v1, v6;
	v4 =	vand.u32 $0x3FFFF800, v40  }
0x3f: {  	v33 =	vld [tilespmem:$0x2B0];
	v3 =	vor.u32 v3, v42;
	v44 =	vor.u32 v5, v8;
	v5 =	vand.u32 $0x3FFFF800, v45  }
0x40: {  	v6 =	vand.u32 $0x7FF, v41;
	v49 =	vor.u32 v9, v11;
	v9 =	vand.u32 $0x3FFFF800, v50  }
0x41: {  	v8 =	vand.u32 $0x7FF, v46;
	v54 =	vor.u32 v12, v14;
	v12 =	vand.u32 $0x3FFFF800, v55  }
0x42: {  	v11 =	vand.u32 $0x7FF, v51;
	v14 =	vand.u32 $0x7FF, v56;
	v34 =	vor.u32 v32, v31;
	[tilespmem:$0x400] =	vst v0  }
0x43: {  	v40 =	vand.u32 $0x3FFFF800, v38;
	v41 =	vshrl.u32 v23, $0x2;
	v42 =	vand.u32 $0x7FF, v24;
	[tilespmem:$0x600] =	vst v1  }
0x44: {  	v45 =	vshrl.u32 v33, $0x2;
	v50 =	vand.u32 $0x3FFFF800, v48;
	v51 =	vshrl.u32 v39, $0x2;
	[tilespmem:$0x610] =	vst v3  }
0x45: {  	v2 =	vor.u32 v2, v4;
	v5 =	vor.u32 v7, v5;
	v6 =	vor.u32 v6, v47;
	[tilespmem:$0x420] =	vst v44  }
0x46: {  	v63 =	vld [tilespmem:$0x100];
	v9 =	vor.u32 v10, v9;
	v8 =	vor.u32 v8, v52;
	v12 =	vor.u32 v13, v12;
	[tilespmem:$0x630] =	vst v49  }
0x47: {  	v46 =	vld [tilespmem:$0x2D0];
	v11 =	vor.u32 v11, v57;
	v13 =	vor.u32 v15, v17;
	v15 =	vand.u32 $0x3FFFF800, v59;
	[tilespmem:$0x450] =	vst v54  }
0x48: {  	v56 =	vld [tilespmem:$0xF0];
	v14 =	vor.u32 v14, v61;
	v0 =	vor.u32 v26, v25;
	v1 =	vor.u32 v30, v28;
	[tilespmem:$0x690] =	vst v34  }
0x49: {  	v23 =	vld [tilespmem:$0x300];
	v3 =	vand.u32 $0x3FFFF800, v35;
	v4 =	vor.u32 v42, v40;
	v47 =	vand.u32 $0x7FF, v33;
	[tilespmem:$0x620] =	vst v5  }
0x4a: {  	v44 =	vld [tilespmem:$0xD0];
	v52 =	vand.u32 $0x7FF, v36;
	v15 =	vor.u32 v16, v15;
	v16 =	vor.u32 v18, v20;
	[tilespmem:$0x430] =	vst v6  }
0x4b: {  	v49 =	vld [tilespmem:$0xE0];
	v3 =	vor.u32 v37, v3;
	v5 =	vand.u32 $0x3FFFF800, v41;
	[tilespmem:$0x440] =	vst v9;
	v6 =	vand.u32 $0x3FFFF800, v45  }
0x4c: {  	v54 =	vld [tilespmem:$0x2E0];
	[tilespmem:$0x640] =	vst v8;
	v9 =	vand.u32 $0x3FFFF800, v51;
	v8 =	vor.u32 v52, v50;
	v5 =	vor.u32 v43, v5  }
0x4d: {  	v59 =	vld [tilespmem:$0x2F0];
	[tilespmem:$0x410] =	vst v2;
	v6 =	vor.u32 v47, v6;
	v9 =	vor.u32 v53, v9;
	v35 =	vshrl.u32 v63, $0x2  }
0x4e: {  	v26 =	vld [tilespmem:$0x110];
	[tilespmem:$0x650] =	vst v12;
	v38 =	vand.u32 $0x7FF, v63;
	v58 =	vshrl.u32 v46, $0x2;
	v7 =	vand.u32 $0x7FF, v46  }
0x4f: {  	v33 =	vld [tilespmem:$0x310];
	[tilespmem:$0x460] =	vst v11;
	v25 =	vshrl.u32 v56, $0x2;
	v30 =	vand.u32 $0x7FF, v56;
	v37 =	vand.u32 $0x3FFFF800, v35  }
0x50: {  	v36 =	vld [tilespmem:$0x120];
	[tilespmem:$0x660] =	vst v13;
	v39 =	vshrl.u32 v23, $0x2;
	v43 =	vand.u32 $0x7FF, v23;
	v55 =	vshrl.u32 v44, $0x2  }
0x51: {  	v40 =	vld [tilespmem:$0x320];
	[tilespmem:$0x670] =	vst v14;
	v57 =	vand.u32 $0x7FF, v44;
	v60 =	vand.u32 $0x3FFFF800, v58;
	v61 =	vshrl.u32 v49, $0x2  }
0x52: {  	[tilespmem:$0x680] =	vst v0;
	v62 =	vand.u32 $0x7FF, v49;
	v22 =	vshrl.u32 v54, $0x2;
	v24 =	vand.u32 $0x7FF, v54  }
0x53: {  	[tilespmem:$0x490] =	vst v1;
	v28 =	vand.u32 $0x3FFFF800, v25;
	v29 =	vshrl.u32 v59, $0x2;
	v32 =	vand.u32 $0x7FF, v59  }
0x54: {  	[tilespmem:$0x4A0] =	vst v3;
	v3 =	vor.u32 v38, v37;
	v41 =	vand.u32 $0x3FFFF800, v39;
	v42 =	vshrl.u32 v26, $0x2  }
0x55: {  	[tilespmem:$0x6A0] =	vst v4;
	v45 =	vld [tilespmem:$0x130];
	v44 =	vand.u32 $0x7FF, v26;
	v47 =	vshrl.u32 v33, $0x2;
	v49 =	vand.u32 $0x7FF, v33  }
0x56: {  	v51 =	vld [tilespmem:$0x140];
	[tilespmem:$0x470] =	vst v15;
	v50 =	vshrl.u32 v36, $0x2;
	v53 =	vshrl.u32 v40, $0x2;
	v54 =	vand.u32 $0x7FF, v36  }
0x57: {  	[tilespmem:$0x480] =	vst v16;
	v10 =	vand.u32 $0x3FFFF800, v55;
	v13 =	vand.u32 $0x3FFFF800, v61;
	v7 =	vor.u32 v7, v60  }
0x58: {  	[tilespmem:$0x4C0] =	vst v8;
	v31 =	vand.u32 $0x3FFFF800, v29;
	v1 =	vor.u32 v30, v28;
	v12 =	vand.u32 $0x3FFFF800, v42  }
0x59: {  	v48 =	vld [tilespmem:$0x330];
	[tilespmem:$0x6B0] =	vst v6;
	v4 =	vor.u32 v43, v41;
	v6 =	vand.u32 $0x3FFFF800, v47;
	v52 =	vand.u32 $0x3FFFF800, v50  }
0x5a: {  	[tilespmem:$0x6C0] =	vst v9;
	v9 =	vand.u32 $0x3FFFF800, v53;
	v55 =	vand.u32 $0x7FF, v40;
	v59 =	vshrl.u32 v45, $0x2  }
0x5b: {  	[tilespmem:$0x4B0] =	vst v5;
	v61 =	vand.u32 $0x7FF, v45;
	v20 =	vshrl.u32 v51, $0x2;
	v10 =	vor.u32 v57, v10  }
0x5c: {  	v63 =	vld [tilespmem:$0x350];
	[tilespmem:$0x500] =	vst v3;
	v21 =	vor.u32 v62, v13;
	v13 =	vand.u32 $0x3FFFF800, v22;
	v34 =	vor.u32 v32, v31  }
0x5d: {  	v56 =	vld [tilespmem:$0x340];
	v46 =	vor.u32 v44, v12;
	v6 =	vor.u32 v49, v6;
	[tilespmem:$0x6D0] =	vst v7;
	v57 =	vor.u32 v54, v52  }
0x5e: {  	v23 =	vld [tilespmem:$0x160];
	v58 =	vor.u32 v55, v9;
	v9 =	vand.u32 $0x3FFFF800, v59;
	v62 =	vshrl.u32 v48, $0x2;
	[tilespmem:$0x4F0] =	vst v1  }
0x5f: {  	v35 =	vld [tilespmem:$0x370];
	v11 =	vand.u32 $0x3FFFF800, v20;
	v22 =	vand.u32 $0x7FF, v51;
	[tilespmem:$0x700] =	vst v4;
	v27 =	vor.u32 v24, v13  }
0x60: {  	v26 =	vld [tilespmem:$0x360];
	[tilespmem:$0x4E0] =	vst v21;
	v18 =	vor.u32 v61, v9;
	v19 =	vand.u32 $0x3FFFF800, v62;
	v21 =	vand.u32 $0x7FF, v48  }
0x61: {  	v38 =	vld [tilespmem:$0x180];
	[tilespmem:$0x6F0] =	vst v34;
	v24 =	vor.u32 v22, v11;
	v32 =	vshrl.u32 v63, $0x2;
	v34 =	vand.u32 $0x7FF, v63  }
0x62: {  	v60 =	vld [tilespmem:$0x150];
	[tilespmem:$0x4D0] =	vst v10;
	v1 =	vor.u32 v21, v19;
	v25 =	vshrl.u32 v56, $0x2;
	v28 =	vand.u32 $0x7FF, v56  }
0x63: {  	[tilespmem:$0x510] =	vst v46;
	v9 =	vand.u32 $0x3FFFF800, v32;
	v37 =	vshrl.u32 v23, $0x2;
	v39 =	vand.u32 $0x7FF, v23  }
0x64: {  	v30 =	vld [tilespmem:$0x170];
	[tilespmem:$0x6E0] =	vst v27;
	v48 =	vshrl.u32 v35, $0x2;
	v51 =	vand.u32 $0x7FF, v35;
	v27 =	vand.u32 $0x3FFFF800, v25  }
0x65: {  	v41 =	vld [tilespmem:$0x380];
	[tilespmem:$0x710] =	vst v6;
	v36 =	vor.u32 v34, v9;
	v6 =	vand.u32 $0x3FFFF800, v37;
	v40 =	vshrl.u32 v26, $0x2  }
0x66: {  	v53 =	vld [tilespmem:$0x1A0];
	[tilespmem:$0x520] =	vst v57;
	v44 =	vand.u32 $0x7FF, v26;
	v50 =	vand.u32 $0x3FFFF800, v48;
	v52 =	vshrl.u32 v38, $0x2  }
0x67: {  	[tilespmem:$0x720] =	vst v58;
	v56 =	vand.u32 $0x7FF, v38;
	v29 =	vshrl.u32 v60, $0x2;
	v3 =	vor.u32 v28, v27  }
0x68: {  	v49 =	vld [tilespmem:$0x390];
	[tilespmem:$0x530] =	vst v18;
	v33 =	vand.u32 $0x7FF, v60;
	v6 =	vor.u32 v39, v6;
	v42 =	vand.u32 $0x3FFFF800, v40  }
0x69: {  	v46 =	vld [tilespmem:$0x190];
	[tilespmem:$0x540] =	vst v24;
	v43 =	vshrl.u32 v30, $0x2;
	v45 =	vand.u32 $0x7FF, v30;
	v2 =	vor.u32 v51, v50  }
0x6a: {  	v58 =	vld [tilespmem:$0x3A0];
	[tilespmem:$0x730] =	vst v1;
	v54 =	vand.u32 $0x3FFFF800, v52;
	v55 =	vshrl.u32 v41, $0x2;
	v57 =	vand.u32 $0x7FF, v41  }
0x6b: {  	v61 =	vld [tilespmem:$0x1B0];
	[tilespmem:$0x750] =	vst v36;
	v16 =	vshrl.u32 v53, $0x2;
	v18 =	vand.u32 $0x7FF, v53;
	v31 =	vand.u32 $0x3FFFF800, v29  }
0x6c: {  	v13 =	vld [tilespmem:$0x3B0];
	v8 =	vand.u32 $0x3FFFF800, v43;
	v0 =	vor.u32 v44, v42;
	[tilespmem:$0x740] =	vst v3;
	v7 =	vand.u32 $0x3FFFF800, v55  }
0x6d: {  	v22 =	vld [tilespmem:$0x3C0];
	v3 =	vor.u32 v56, v54;
	[tilespmem:$0x560] =	vst v6;
	v63 =	vshrl.u32 v49, $0x2;
	v17 =	vand.u32 $0x7FF, v49  }
0x6e: {  	v6 =	vand.u32 $0x3FFFF800, v16;
	[tilespmem:$0x770] =	vst v2;
	v4 =	vor.u32 v33, v31;
	v47 =	vor.u32 v45, v8  }
0x6f: {  	v19 =	vld [tilespmem:$0x1C0];
	v59 =	vor.u32 v57, v7;
	v60 =	vshrl.u32 v46, $0x2;
	v62 =	vand.u32 $0x7FF, v46;
	[tilespmem:$0x760] =	vst v0  }
0x70: {  	v15 =	vand.u32 $0x3FFFF800, v63;
	v20 =	vor.u32 v18, v6;
	v21 =	vshrl.u32 v58, $0x2;
	[tilespmem:$0x580] =	vst v3  }
0x71: {  	v26 =	vld [tilespmem:$0x1D0];
	v24 =	vand.u32 $0x7FF, v58;
	v25 =	vshrl.u32 v61, $0x2;
	v28 =	vshrl.u32 v13, $0x2;
	[tilespmem:$0x550] =	vst v4  }
0x72: {  	v34 =	vld [tilespmem:$0x1E0];
	v29 =	vand.u32 $0x7FF, v61;
	v30 =	vand.u32 $0x7FF, v13;
	v37 =	vshrl.u32 v22, $0x2;
	[tilespmem:$0x570] =	vst v47  }
0x73: {  	v38 =	vld [tilespmem:$0x3E0];
	v41 =	vand.u32 $0x7FF, v22;
	v5 =	vand.u32 $0x3FFFF800, v60;
	v1 =	vor.u32 v17, v15;
	[tilespmem:$0x780] =	vst v59  }
0x74: {  	v23 =	vand.u32 $0x3FFFF800, v21;
	v27 =	vand.u32 $0x3FFFF800, v25;
	v33 =	vshrl.u32 v19, $0x2;
	[tilespmem:$0x5A0] =	vst v20  }
0x75: {  	v36 =	vand.u32 $0x7FF, v19;
	v39 =	vand.u32 $0x3FFFF800, v37;
	v14 =	vor.u32 v62, v5;
	[tilespmem:$0x790] =	vst v1  }
0x76: {  	v3 =	vor.u32 v24, v23;
	v5 =	vand.u32 $0x3FFFF800, v28;
	v0 =	vor.u32 v29, v27;
	[tilespmem:$0x590] =	vst v14  }
0x77: {  	v43 =	vld [tilespmem:$0x1F0];
	v35 =	vand.u32 $0x3FFFF800, v33;
	v40 =	vshrl.u32 v26, $0x2;
	v42 =	vand.u32 $0x7FF, v26;
	[tilespmem:$0x7A0] =	vst v3  }
0x78: {  	v31 =	vld [tilespmem:$0x3D0];
	v49 =	vshrl.u32 v34, $0x2;
	v52 =	vshrl.u32 v38, $0x2;
	v32 =	vor.u32 v30, v5;
	[tilespmem:$0x5B0] =	vst v0  }
0x79: {  	v46 =	vld [tilespmem:$0x3F0];
	v53 =	vand.u32 $0x7FF, v34;
	v54 =	vand.u32 $0x7FF, v38;
	v2 =	vor.u32 v36, v35;
	[tilespmem:$0x7B0] =	vst v32  }
0x7a: {  	v4 =	vand.u32 $0x3FFFF800, v40;
	v0 =	vor.u32 v41, v39;
	v51 =	vand.u32 $0x3FFFF800, v49;
	[tilespmem:$0x5C0] =	vst v2  }
0x7b: {  	v3 =	vand.u32 $0x3FFFF800, v52;
	v44 =	vor.u32 v42, v4;
	[tilespmem:$0x7C0] =	vst v0;
	v55 =	vor.u32 v53, v51  }
0x7c: {  	v56 =	vor.u32 v54, v3;
	v57 =	vshrl.u32 v43, $0x2;
	v59 =	vand.u32 $0x7FF, v43;
	[tilespmem:$0x5D0] =	vst v44  }
0x7d: {  	v45 =	vshrl.u32 v31, $0x2;
	v48 =	vand.u32 $0x7FF, v31;
	[tilespmem:$0x5E0] =	vst v55;
	v58 =	vand.u32 $0x3FFFF800, v57  }
0x7e: {  	v60 =	vshrl.u32 v46, $0x2;
	[tilespmem:$0x7E0] =	vst v56;
	v47 =	vand.u32 $0x3FFFF800, v45;
	v0 =	vor.u32 v59, v58  }
0x7f: {  	v62 =	vand.u32 $0x7FF, v46;
	v61 =	vand.u32 $0x3FFFF800, v60;
	v50 =	vor.u32 v48, v47;
	[tilespmem:$0x5F0] =	vst v0  }
0x80: {  	v63 =	vor.u32 v62, v61;
	[tilespmem:$0x7D0] =	vst v50  }
0x81: {  	[tilespmem:$0x7F0] =	vst v63  }
0x82: {  	[tilespmem:s20], [sflag:$0x1] =	stream.indirect.gather [hbm4b:s2+s18], $0x80, s19, s18, $0xb8;
	[tilespmem:$0x8800] =	vst v63  }
0x83: {  	_ = 	snop  }
0x84: {  	[tilespmem:s22], [sflag:$0x2] =	stream.indirect.gather [hbm4b:s4+s18], $0x80, s21, s18, $0xb8;
	[tilespmem:$0x8800] =	vst v63  }
0x85: {  	_ =	swait.ge [sflag:s23], $0x4000  }
0x86: {  	[sflag:s23] =	ssyncset.done $0x0  }
0x87: {  	[sflag:s23] =	ssyncadd.s32 $0xFFFFC000  }
0x88: {  	[hbm4b:s7+s1] =	stream.linear.scatter [tilespmem:s20], [sflag:$0x3], $0x4000, $0x38;
	[tilespmem:$0x8800] =	vst v63  }
0x89: {  	_ =	swait.ge [sflag:s16], $0x4000  }
0x8a: {  	[sflag:s16] =	ssyncset.done $0x0  }
0x8b: {  	[sflag:s16] =	ssyncadd.s32 $0xFFFFC000  }
0x8c: {  	_ =	swait.ge [sflag:s24], $0x4000  }
0x8d: {  	[sflag:s24] =	ssyncset.done $0x0  }
0x8e: {  	[sflag:s24] =	ssyncadd.s32 $0xFFFFC000  }
0x8f: {  	[hbm4b:s8+s1] =	stream.linear.scatter [tilespmem:s22], [sflag:$0x3], $0x4000, $0x38;
	[tilespmem:$0x8800] =	vst v63  }
0x90: {  	_ =	swait.ge [sflag:s16], $0x4000  }
0x91: {  	[sflag:s16] =	ssyncset.done $0x0  }
0x92: {  	[sflag:s16] =	ssyncadd.s32 $0xFFFFC000  }
0x93: {  	[tilespmem:s20], [sflag:$0x1] =	stream.indirect.gather [hbm4b:s2+s18], $0x80, s25, s18, $0xb8;
	[tilespmem:$0x8800] =	vst v63  }
0x94: {  	_ = 	snop  }
0x95: {  	[tilespmem:s22], [sflag:$0x2] =	stream.indirect.gather [hbm4b:s4+s18], $0x80, s26, s18, $0xb8;
	[tilespmem:$0x8800] =	vst v63  }
0x96: {  	_ =	swait.ge [sflag:s23], $0x4000  }
0x97: {  	[sflag:s23] =	ssyncset.done $0x0  }
0x98: {  	[sflag:s23] =	ssyncadd.s32 $0xFFFFC000  }
0x99: {  	[hbm4b:s9+s1] =	stream.linear.scatter [tilespmem:s20], [sflag:$0x3], $0x4000, $0x38;
	[tilespmem:$0x8800] =	vst v63  }
0x9a: {  	_ =	swait.ge [sflag:s16], $0x4000  }
0x9b: {  	[sflag:s16] =	ssyncset.done $0x0  }
0x9c: {  	[sflag:s16] =	ssyncadd.s32 $0xFFFFC000  }
0x9d: {  	_ =	swait.ge [sflag:s24], $0x4000  }
0x9e: {  	[sflag:s24] =	ssyncset.done $0x0  }
0x9f: {  	[sflag:s24] =	ssyncadd.s32 $0xFFFFC000  }
0xa0: {  	[hbm4b:s10+s1] =	stream.linear.scatter [tilespmem:s22], [sflag:$0x3], $0x4000, $0x38;
	[tilespmem:$0x8800] =	vst v63  }
0xa1: {  	_ =	swait.ge [sflag:s16], $0x4000  }
0xa2: {  	[sflag:s16] =	ssyncset.done $0x0  }
0xa3: {  	[sflag:s16] =	ssyncadd.s32 $0xFFFFC000  }
0xa4: {  	[tilespmem:s20], [sflag:$0x1] =	stream.indirect.gather [hbm4b:s2+s18], $0x80, s28, s18, $0xb8;
	[tilespmem:$0x8800] =	vst v63  }
0xa5: {  	_ = 	snop  }
0xa6: {  	[tilespmem:s22], [sflag:$0x2] =	stream.indirect.gather [hbm4b:s4+s18], $0x80, s29, s18, $0xb8;
	[tilespmem:$0x8800] =	vst v63  }
0xa7: {  	_ =	swait.ge [sflag:s23], $0x4000  }
0xa8: {  	[sflag:s23] =	ssyncset.done $0x0  }
0xa9: {  	[sflag:s23] =	ssyncadd.s32 $0xFFFFC000  }
0xaa: {  	[hbm4b:s11+s1] =	stream.linear.scatter [tilespmem:s20], [sflag:$0x3], $0x4000, $0x38;
	[tilespmem:$0x8800] =	vst v63  }
0xab: {  	_ =	swait.ge [sflag:s16], $0x4000  }
0xac: {  	[sflag:s16] =	ssyncset.done $0x0  }
0xad: {  	[sflag:s16] =	ssyncadd.s32 $0xFFFFC000  }
0xae: {  	_ =	swait.ge [sflag:s24], $0x4000  }
0xaf: {  	[sflag:s24] =	ssyncset.done $0x0  }
0xb0: {  	[sflag:s24] =	ssyncadd.s32 $0xFFFFC000  }
0xb1: {  	[hbm4b:s12+s1] =	stream.linear.scatter [tilespmem:s22], [sflag:$0x3], $0x4000, $0x38;
	[tilespmem:$0x8800] =	vst v63  }
0xb2: {  	_ =	swait.ge [sflag:s16], $0x4000  }
0xb3: {  	[sflag:s16] =	ssyncset.done $0x0  }
0xb4: {  	[sflag:s16] =	ssyncadd.s32 $0xFFFFC000  }
0xb5: {  	[tilespmem:s20], [sflag:$0x1] =	stream.indirect.gather [hbm4b:s2+s18], $0x80, s30, s18, $0xb8;
	[tilespmem:$0x8800] =	vst v63  }
0xb6: {  	_ = 	snop  }
0xb7: {  	[tilespmem:s22], [sflag:$0x2] =	stream.indirect.gather [hbm4b:s4+s18], $0x80, s31, s18, $0xb8;
	[tilespmem:$0x8800] =	vst v63  }
0xb8: {  	_ =	swait.ge [sflag:s23], $0x4000  }
0xb9: {  	[sflag:s23] =	ssyncset.done $0x0  }
0xba: {  	[sflag:s23] =	ssyncadd.s32 $0xFFFFC000  }
0xbb: {  	[hbm4b:s13+s1] =	stream.linear.scatter [tilespmem:s20], [sflag:$0x3], $0x4000, $0x38;
	[tilespmem:$0x8800] =	vst v63  }
0xbc: {  	_ =	swait.ge [sflag:s16], $0x4000  }
0xbd: {  	[sflag:s16] =	ssyncset.done $0x0  }
0xbe: {  	[sflag:s16] =	ssyncadd.s32 $0xFFFFC000  }
0xbf: {  	_ =	swait.ge [sflag:s24], $0x4000  }
0xc0: {  	p0 =	sne.s32 s15, $0x1;
	[sflag:s24] =	ssyncset.done $0x0  }
.Ltmp0:
0xc1: {  	[sflag:s24] =	ssyncadd.s32 $0xFFFFC000;
	(pc) =	sbr.rel @p0 .LBB2_1-.Ltmp0, $4  }
0xc2: {  	[hbm4b:s14+s1] =	stream.linear.scatter [tilespmem:s22], [sflag:$0x3], $0x4000, $0x38;
	[tilespmem:$0x8800] =	vst v63  }
0xc3: {  	_ =	swait.ge [sflag:s16], $0x4000  }
0xc4: {  	[sflag:s16] =	ssyncset.done $0x0  }
0xc5: {  	s15 =	sadd.s32 $0xFFFFFFFF, s15;
	[sflag:s16] =	ssyncadd.s32 $0xFFFFC000  }
0xc6: {  	_ =	sfence.sel $0x180000  }
0xc7: {  	[bflag:$0x0] =	sbarrier.arrive $0xFFFF  }
0xc8: {  	p0 =	sne.s32 s3, $0x0;
	_ =	strace $0x90000047  }
0xc9: {  	s0 =	sadd.s32 @!p0 $0x100000, s0;
	[bflag:$0x2] =	sbarrier.arrive $0xFFFF  }
0xca: {  	[sflag:s0] =	ssyncadd.tile.s32 @!p0 $0x1;
	_ =	shalt  }
.Lfunc_end2:
_tile_overlayer_lowered:
.L_overlay_start_2:
0xcb: {  	(tag) =	ssettag $0x2  }
0xcc: {  	s0 =	rddreg [dreg:$0x0];
	s2 =	stileid.u32  }
0xcd: {  	s1 =	rddreg [dreg:$0x1];
	p0 =	sne.s32 s2, $0x0  }
0xce: {  	s3 =	rddreg [dreg:$0x2];
	[bflag:$0x3] =	sbarrier.arrive $0xFFFF;
	s2 =	simm.s32 @!p0 $0x1C03  }
0xcf: {  	[timem:s3], [sflag:s2] =	dma.local @!p0 [hbm:s0], s1  }
0xd0: {  	s0 =	simm.s32 @!p0 $0x3  }
0xd1: {  	_ =	swait.ge @!p0 [sflag:s0], s1  }
0xd2: {  	s1 =	ssub.s32 @!p0 $0x0, s1;
	[sflag:s0] =	ssyncset.done @!p0 $0x0  }
0xd3: {  	[sflag:s0] =	ssyncadd.s32 @!p0 s1  }
0xd4: {  	[bflag:$0x3] =	sbarrier.arrive $0xFFFF  }
0xd5: {  	_ =	shalt  }

</sc_bundles>
